<compile_context>
chip_gen: v7x
topology: tpu7x:2x2x1
jax: 0.10.2.dev20260603
libtpu: 0.0.44.dev20260713+nightly
codegen_flags: <defaults>
</compile_context>

<pallas_src>
import jax
import jax.numpy as jnp
from jax import lax
from jax.experimental import pallas as pl
from jax.experimental.pallas import tpu as pltpu
from jax.experimental.pallas import tpu_sc as plsc

N = 10000
E = 320000
D = 128
F = 64
W = 72
NC = 2
NS = 16
NW = NC * NS
B = 128
TB = E // B
NBM = TB // NW
XW = TB - NBM * NW
NB = NBM + 1
NRING = 6
ROWS = 10112
RPS = ROWS // NS
ZR = 79
RP = 632
RT = 1000
RM = 2000

T = 2 * NBM
NG = T // NRING


def _sc_agg_body(tbl_hbm, idx_hbm, out0_hbm, out1_hbm, acc_s, src_v, dst_v,
                 gbuf0, gbuf1, gbuf2, gbuf3, gbuf4, gbuf5,
                 zbuf, gsems, ssems):
    c = lax.axis_index("c")
    s = lax.axis_index("s")
    w = c * NS + s

    idx_src_cp = pltpu.async_copy(
        idx_hbm.at[0, pl.ds(w * NBM, NBM)], src_v.at[pl.ds(0, NBM)],
        gsems.at[0])
    idx_dst_cp = pltpu.async_copy(
        idx_hbm.at[1, pl.ds(w * NBM, NBM)], dst_v.at[pl.ds(0, NBM)],
        gsems.at[1])

    @pl.when(w < XW)
    def _stage_extra():
        pltpu.sync_copy(idx_hbm.at[0, pl.ds(NW * NBM + w, 1)],
                        src_v.at[pl.ds(NBM, 1)])
        pltpu.sync_copy(idx_hbm.at[1, pl.ds(NW * NBM + w, 1)],
                        dst_v.at[pl.ds(NBM, 1)])

    z16 = jnp.zeros((16,), jnp.float32)

    def zero_row(r, _):
        for cc in range(W // 16):
            zbuf[r, pl.ds(cc * 16, 16)] = z16
        return _

    lax.fori_loop(0, ZR, zero_row, None)

    def zero_chunk(k, _):
        pltpu.sync_copy(zbuf, acc_s.at[pl.ds(s * RPS + k * ZR, ZR), :])
        return _

    lax.fori_loop(0, RPS // ZR, zero_chunk, None)

    idx_src_cp.wait()
    idx_dst_cp.wait()

    plsc.subcore_barrier()

    gbufs = (gbuf0, gbuf1, gbuf2, gbuf3, gbuf4, gbuf5)

    def task_refs(u, k):
        b = (NRING // 2) * k + (u >> 1)
        if u & 1 == 0:
            return dst_v.at[b], src_v.at[b]
        return src_v.at[b], dst_v.at[b]

    def issue_gather(u, k):
        g_idx, _ = task_refs(u, k)
        pltpu.async_copy(tbl_hbm.at[g_idx], gbufs[u], gsems.at[u])

    def wait_gather(u, k):
        g_idx, _ = task_refs(u, k)
        pltpu.make_async_copy(tbl_hbm.at[g_idx], gbufs[u], gsems.at[u]).wait()

    def issue_scatter(u, k):
        _, s_idx = task_refs(u, k)
        pltpu.async_copy(gbufs[u], acc_s.at[s_idx], ssems.at[u], add=True)

    def wait_scatter(u, k):
        _, s_idx = task_refs(u, k)
        pltpu.make_async_copy(gbufs[u], acc_s.at[s_idx], ssems.at[u]).wait()

    for u in range(NRING):
        issue_gather(u, 0)

    def group(k, _):
        for u in range(NRING):
            wait_gather(u, k)
            issue_scatter(u, k)
        for u in range(NRING):
            wait_scatter(u, k)

        @pl.when(k < NG - 1)
        def _issue_next():
            for u in range(NRING):
                issue_gather(u, k + 1)

        return _

    lax.fori_loop(0, NG, group, None)

    @pl.when(w < XW)
    def _extra_batch():
        pltpu.sync_copy(tbl_hbm.at[dst_v.at[NBM]], gbuf0)
        pltpu.sync_copy(gbuf0, acc_s.at[src_v.at[NBM]], add=True)
        pltpu.sync_copy(tbl_hbm.at[src_v.at[NBM]], gbuf1)
        pltpu.sync_copy(gbuf1, acc_s.at[dst_v.at[NBM]], add=True)

    plsc.subcore_barrier()

    @pl.when(c == 0)
    def _wb0():
        pltpu.sync_copy(acc_s.at[pl.ds(s * RPS, RPS), :],
                        out0_hbm.at[pl.ds(s * RPS, RPS), :])

    @pl.when(c == 1)
    def _wb1():
        pltpu.sync_copy(acc_s.at[pl.ds(s * RPS, RPS), :],
                        out1_hbm.at[pl.ds(s * RPS, RPS), :])


def _sc_aggregate(tbl, idx):
    mesh = plsc.VectorSubcoreMesh(core_axis_name="c", subcore_axis_name="s",
                                  num_cores=NC, num_subcores=NS)
    f = pl.kernel(
        _sc_agg_body,
        out_type=[jax.ShapeDtypeStruct((ROWS, W), jnp.float32),
                  jax.ShapeDtypeStruct((ROWS, W), jnp.float32)],
        mesh=mesh,
        scratch_types=[
            pltpu.VMEM_SHARED((ROWS, W), jnp.float32),
            pltpu.VMEM((NB, B), jnp.int32),
            pltpu.VMEM((NB, B), jnp.int32),
        ] + [pltpu.VMEM((B, W), jnp.float32)] * NRING + [
            pltpu.VMEM((ZR, W), jnp.float32),
            pltpu.SemaphoreType.DMA((NRING,)),
            pltpu.SemaphoreType.DMA((NRING,)),
        ],
        compiler_params=pltpu.CompilerParams(use_tc_tiling_on_sc=False),
    )
    return f(tbl, idx)


def _tc_tbl_body(x_ref, tbl_ref):
    tbl_ref[:, :F] = x_ref[:, F:]
    one_col = (lax.broadcasted_iota(jnp.int32, (RT, W - F), 1) == 0)
    tbl_ref[:, F:] = one_col.astype(jnp.float32)


def _tc_tbl(x):
    return pl.pallas_call(
        _tc_tbl_body,
        grid=(N // RT,),
        in_specs=[pl.BlockSpec((RT, D), lambda i: (i, 0))],
        out_specs=pl.BlockSpec((RT, W), lambda i: (i, 0)),
        out_shape=jax.ShapeDtypeStruct((ROWS, W), jnp.float32),
    )(x)


def _tc_pre_body(x_ref, w1a_ref, b1_ref, pre_ref):
    pre_ref[...] = jnp.dot(x_ref[:, :F], w1a_ref[...],
                           preferred_element_type=jnp.float32,
                           precision=lax.Precision.HIGHEST) + b1_ref[...]


def _tc_pre(x, W1, b1):
    return pl.pallas_call(
        _tc_pre_body,
        grid=(N // RT,),
        in_specs=[
            pl.BlockSpec((RT, D), lambda i: (i, 0)),
            pl.BlockSpec((F, D), lambda i: (0, 0)),
            pl.BlockSpec((1, D), lambda i: (0, 0)),
        ],
        out_specs=pl.BlockSpec((RT, D), lambda i: (i, 0)),
        out_shape=jax.ShapeDtypeStruct((N, D), jnp.float32),
    )(x, W1[:F], b1.reshape(1, D))


def _tc_mlp_body(pre_ref, p0_ref, p1_ref, w1b_ref, w2_ref, b2_ref, o_ref):
    p = p0_ref[...] + p1_ref[...]
    deg = jnp.maximum(p[:, F:F + 1], 1.0)
    agg = p[:, :F] / deg
    h = pre_ref[...] + jnp.dot(agg, w1b_ref[...],
                               preferred_element_type=jnp.float32,
                               precision=lax.Precision.HIGHEST)
    h = jnp.maximum(h, 0.0)
    o_ref[...] = jnp.dot(h, w2_ref[...],
                         preferred_element_type=jnp.float32,
                         precision=lax.Precision.HIGHEST) + b2_ref[...]


def _tc_mlp(pre, p0, p1, W1, W2, b2):
    return pl.pallas_call(
        _tc_mlp_body,
        grid=(N // RM,),
        in_specs=[
            pl.BlockSpec((RM, D), lambda i: (i, 0)),
            pl.BlockSpec((RM, W), lambda i: (i, 0)),
            pl.BlockSpec((RM, W), lambda i: (i, 0)),
            pl.BlockSpec((F, D), lambda i: (0, 0)),
            pl.BlockSpec((D, D), lambda i: (0, 0)),
            pl.BlockSpec((1, D), lambda i: (0, 0)),
        ],
        out_specs=pl.BlockSpec((RM, D), lambda i: (i, 0)),
        out_shape=jax.ShapeDtypeStruct((N, D), jnp.float32),
    )(pre, p0, p1, W1[F:], W2, b2.reshape(1, D))


def kernel(x, edge_index, W1, b1, W2, b2):
    idx = edge_index.reshape(2, TB, B)

    tbl = _tc_tbl(x)
    p0, p1 = _sc_aggregate(tbl, idx)
    pre = _tc_pre(x, W1, b1)
    return _tc_mlp(pre, p0, p1, W1, W2, b2)

# --- scband reference (transcript-rebuilt; emitter-appended) ---
"""Pipeline reference for scband-crsm-987842478111 (READ-ONLY COPY).

The authoritative reference and input builder live on the scoring server;
editing this copy changes nothing except your own understanding.
"""

import jax, jax.numpy as jnp
import numpy as np

N = 10000
E = 320000
D = 128
NH = 64


def setup_inputs(seed: int = 0) -> dict:
    key = jax.random.key(seed)
    k1, k2, k3, k4 = jax.random.split(key, 4)
    x = jax.random.normal(k1, (N, D), dtype=jnp.float32)
    edge_index = jax.random.randint(k2, (2, E), 0, N, dtype=jnp.int32)
    # MLP params: Linear(128 -> 128) + ReLU + Linear(128 -> 128)
    W1 = jax.random.normal(k3, (D, 128), dtype=jnp.float32) * (1.0 / np.sqrt(D))
    b1 = jnp.zeros((128,), dtype=jnp.float32)
    W2 = jax.random.normal(k4, (128, 128), dtype=jnp.float32) * (1.0 / np.sqrt(128))
    b2 = jnp.zeros((128,), dtype=jnp.float32)
    return {"x": x, "edge_index": edge_index, "W1": W1, "b1": b1, "W2": W2, "b2": b2}


def reference(x, edge_index, W1, b1, W2, b2):
    radial_idx = jnp.arange(0, 64)
    conical_idx = jnp.arange(64, 128)
    radial = jnp.take(x, radial_idx, axis=1)
    conical_feats = jnp.take(x, conical_idx, axis=1)
    i = edge_index[0]
    j = edge_index[1]
    # symmetrize edges (duplicates contribute with multiplicity, matching
    # torch coalesce summing values and bincount over un-coalesced indices)
    sym_i = jnp.concatenate([i, j], axis=0)
    sym_j = jnp.concatenate([j, i], axis=0)
    # sparse adj @ conical_feats == segment-sum of gathered neighbor features
    gathered = jnp.take(conical_feats, sym_j, axis=0)
    neighbor_sum = jax.ops.segment_sum(gathered, sym_i, num_segments=N)
    deg = jnp.clip(jnp.bincount(sym_i, length=N), 1, None).astype(jnp.float32)[:, None]
    agg = neighbor_sum / deg
    combined = jnp.concatenate([radial, agg], axis=1)
    h = jax.nn.relu(combined @ W1 + b1)
    out = h @ W2 + b2
    return out

if __name__ == "__main__":
    import jax
    _d = setup_inputs()
    print(jax.jit(kernel)(*tuple(_d.values())))

</pallas_src>

<mosaic_0001>
#map = affine_map<(d0, d1) -> (0, 0)>
#map1 = affine_map<(d0, d1) -> (0, 0, 0)>
module attributes {stable_mosaic.version = 14 : i64} {
  func.func @_sc_agg_body(%arg0: i32, %arg1: i32, %arg2: memref<10112x72xf32, #tpu.memory_space<hbm>>, %arg3: memref<2x2500x128xi32, #tpu.memory_space<hbm>>, %arg4: memref<10112x72xf32, #tpu.memory_space<hbm>>, %arg5: memref<10112x72xf32, #tpu.memory_space<hbm>>, %arg6: memref<10112x72xf32, #tpu.memory_space<vmem_shared>>, %arg7: memref<79x128xi32, #tpu.memory_space<vmem>>, %arg8: memref<79x128xi32, #tpu.memory_space<vmem>>, %arg9: memref<128x72xf32, #tpu.memory_space<vmem>>, %arg10: memref<128x72xf32, #tpu.memory_space<vmem>>, %arg11: memref<128x72xf32, #tpu.memory_space<vmem>>, %arg12: memref<128x72xf32, #tpu.memory_space<vmem>>, %arg13: memref<128x72xf32, #tpu.memory_space<vmem>>, %arg14: memref<128x72xf32, #tpu.memory_space<vmem>>, %arg15: memref<79x72xf32, #tpu.memory_space<vmem>>, %arg16: memref<6x!tpu.dma_semaphore, #tpu.memory_space<semaphore_mem>>, %arg17: memref<6x!tpu.dma_semaphore, #tpu.memory_space<semaphore_mem>>) attributes {dimension_semantics = [#tpu.dimension_semantics<core_parallel>, #tpu.dimension_semantics<subcore_parallel>], iteration_bounds = array<i64: 2, 16>, scalar_prefetch = 0 : i64, scratch_operands = 12 : i64, tpu.core_type = #tpu.core_type<sc_vector_subcore>, window_params = [{transform_indices = #map}, {transform_indices = #map1}, {transform_indices = #map}, {transform_indices = #map}]} {
    %mul3A = arith.constant 16 : i32
    %mul3A_0 = arith.muli %arg0, %mul3A : i32
    %add3A = arith.addi %mul3A_0, %arg1 : i32
    %mul3A_1 = arith.constant 78 : i32
    %mul3A_2 = arith.muli %add3A, %mul3A_1 : i32
    %dma_start3A = arith.constant 0 : i32
    %dma_start3A_3 = arith.constant 0 : i32
    %dma_start3A_4 = arith.constant 0 : i32
    %dma_start3A_5 = arith.constant 0 : i32
    %dma_start3A_6 = tpu.memref_slice %arg7[%dma_start3A_4, %dma_start3A_5] : memref<79x128xi32, #tpu.memory_space<vmem>> -> memref<78x128xi32, #tpu.memory_space<vmem>>
    %dma_start3A_7 = arith.constant 0 : i32
    %dma_start3A_8 = tpu.memref_slice %arg3[%dma_start3A, %mul3A_2, %dma_start3A_7] : memref<2x2500x128xi32, #tpu.memory_space<hbm>> -> memref<1x78x128xi32, #tpu.memory_space<hbm>>
    %dma_start3A_9 = tpu.memref_squeeze %dma_start3A_8 : memref<1x78x128xi32, #tpu.memory_space<hbm>> -> memref<78x128xi32, #tpu.memory_space<hbm>>
    %dma_start3A_10 = tpu.memref_slice %arg16[%dma_start3A_3] : memref<6x!tpu.dma_semaphore, #tpu.memory_space<semaphore_mem>> -> memref<1x!tpu.dma_semaphore, #tpu.memory_space<semaphore_mem>>
    %dma_start3A_11 = tpu.memref_squeeze %dma_start3A_10 : memref<1x!tpu.dma_semaphore, #tpu.memory_space<semaphore_mem>> -> memref<!tpu.dma_semaphore, #tpu.memory_space<semaphore_mem>>
    %dma_start3A_12 = arith.constant 0 : i32
    %dma_start3A_13 = arith.constant 0 : i32
    %dma_start3A_14 = tpu.memref_slice %arg7[%dma_start3A_12, %dma_start3A_13] : memref<79x128xi32, #tpu.memory_space<vmem>> -> memref<78x128xi32, #tpu.memory_space<vmem>>
    %dma_start3A_15 = arith.constant 0 : i32
    %dma_start3A_16 = tpu.memref_slice %arg3[%dma_start3A, %mul3A_2, %dma_start3A_15] : memref<2x2500x128xi32, #tpu.memory_space<hbm>> -> memref<1x78x128xi32, #tpu.memory_space<hbm>>
    %dma_start3A_17 = tpu.memref_squeeze %dma_start3A_16 : memref<1x78x128xi32, #tpu.memory_space<hbm>> -> memref<78x128xi32, #tpu.memory_space<hbm>>
    tpu.enqueue_dma source(%dma_start3A_17 : memref<78x128xi32, #tpu.memory_space<hbm>>) target(%dma_start3A_14 : memref<78x128xi32, #tpu.memory_space<vmem>>) target_semaphore(%dma_start3A_11 : memref<!tpu.dma_semaphore, #tpu.memory_space<semaphore_mem>>)
    %mul3A_18 = arith.constant 78 : i32
    %mul3A_19 = arith.muli %add3A, %mul3A_18 : i32
    %dma_start3A_20 = arith.constant 1 : i32
    %dma_start3A_21 = arith.constant 1 : i32
    %dma_start3A_22 = arith.constant 0 : i32
    %dma_start3A_23 = arith.constant 0 : i32
    %dma_start3A_24 = tpu.memref_slice %arg8[%dma_start3A_22, %dma_start3A_23] : memref<79x128xi32, #tpu.memory_space<vmem>> -> memref<78x128xi32, #tpu.memory_space<vmem>>
    %dma_start3A_25 = arith.constant 0 : i32
    %dma_start3A_26 = tpu.memref_slice %arg3[%dma_start3A_20, %mul3A_19, %dma_start3A_25] : memref<2x2500x128xi32, #tpu.memory_space<hbm>> -> memref<1x78x128xi32, #tpu.memory_space<hbm>>
    %dma_start3A_27 = tpu.memref_squeeze %dma_start3A_26 : memref<1x78x128xi32, #tpu.memory_space<hbm>> -> memref<78x128xi32, #tpu.memory_space<hbm>>
    %dma_start3A_28 = tpu.memref_slice %arg16[%dma_start3A_21] : memref<6x!tpu.dma_semaphore, #tpu.memory_space<semaphore_mem>> -> memref<1x!tpu.dma_semaphore, #tpu.memory_space<semaphore_mem>>
    %dma_start3A_29 = tpu.memref_squeeze %dma_start3A_28 : memref<1x!tpu.dma_semaphore, #tpu.memory_space<semaphore_mem>> -> memref<!tpu.dma_semaphore, #tpu.memory_space<semaphore_mem>>
    %dma_start3A_30 = arith.constant 0 : i32
    %dma_start3A_31 = arith.constant 0 : i32
    %dma_start3A_32 = tpu.memref_slice %arg8[%dma_start3A_30, %dma_start3A_31] : memref<79x128xi32, #tpu.memory_space<vmem>> -> memref<78x128xi32, #tpu.memory_space<vmem>>
    %dma_start3A_33 = arith.constant 0 : i32
    %dma_start3A_34 = tpu.memref_slice %arg3[%dma_start3A_20, %mul3A_19, %dma_start3A_33] : memref<2x2500x128xi32, #tpu.memory_space<hbm>> -> memref<1x78x128xi32, #tpu.memory_space<hbm>>
    %dma_start3A_35 = tpu.memref_squeeze %dma_start3A_34 : memref<1x78x128xi32, #tpu.memory_space<hbm>> -> memref<78x128xi32, #tpu.memory_space<hbm>>
    tpu.enqueue_dma source(%dma_start3A_35 : memref<78x128xi32, #tpu.memory_space<hbm>>) target(%dma_start3A_32 : memref<78x128xi32, #tpu.memory_space<vmem>>) target_semaphore(%dma_start3A_29 : memref<!tpu.dma_semaphore, #tpu.memory_space<semaphore_mem>>)
    %lt3A = arith.constant 4 : i32
    %lt3A_36 = arith.cmpi slt, %add3A, %lt3A : i32
    %convert_element_type3A = arith.extui %lt3A_36 : i1 to i32
    %cond3A = arith.constant 0 : i32
    %cond3A_37 = arith.cmpi ne, %convert_element_type3A, %cond3A : i32
    scf.if %cond3A_37 {
      %add3A_159 = arith.constant 2496 : i32
      %add3A_160 = arith.addi %add3A_159, %add3A : i32
      %run_scoped3A = arith.constant 0 : i32
      "tpu.region"() ({
        %run_scoped3A_164 = tpu.sem_alloc : memref<!tpu.dma_semaphore, #tpu.memory_space<semaphore_mem>>
        %dma_start3A_165 = arith.constant 78 : i32
        %dma_start3A_166 = arith.constant 0 : i32
        %dma_start3A_167 = tpu.memref_slice %arg7[%dma_start3A_165, %dma_start3A_166] : memref<79x128xi32, #tpu.memory_space<vmem>> -> memref<1x128xi32, #tpu.memory_space<vmem>>
        %dma_start3A_168 = arith.constant 0 : i32
        %dma_start3A_169 = tpu.memref_slice %arg3[%run_scoped3A, %add3A_160, %dma_start3A_168] : memref<2x2500x128xi32, #tpu.memory_space<hbm>> -> memref<1x1x128xi32, #tpu.memory_space<hbm>>
        %dma_start3A_170 = tpu.memref_squeeze %dma_start3A_169 : memref<1x1x128xi32, #tpu.memory_space<hbm>> -> memref<1x128xi32, #tpu.memory_space<hbm>>
        %dma_start3A_171 = arith.constant 78 : i32
        %dma_start3A_172 = arith.constant 0 : i32
        %dma_start3A_173 = tpu.memref_slice %arg7[%dma_start3A_171, %dma_start3A_172] : memref<79x128xi32, #tpu.memory_space<vmem>> -> memref<1x128xi32, #tpu.memory_space<vmem>>
        %dma_start3A_174 = arith.constant 0 : i32
        %dma_start3A_175 = tpu.memref_slice %arg3[%run_scoped3A, %add3A_160, %dma_start3A_174] : memref<2x2500x128xi32, #tpu.memory_space<hbm>> -> memref<1x1x128xi32, #tpu.memory_space<hbm>>
        %dma_start3A_176 = tpu.memref_squeeze %dma_start3A_175 : memref<1x1x128xi32, #tpu.memory_space<hbm>> -> memref<1x128xi32, #tpu.memory_space<hbm>>
        tpu.enqueue_dma source(%dma_start3A_176 : memref<1x128xi32, #tpu.memory_space<hbm>>) target(%dma_start3A_173 : memref<1x128xi32, #tpu.memory_space<vmem>>) target_semaphore(%run_scoped3A_164 : memref<!tpu.dma_semaphore, #tpu.memory_space<semaphore_mem>>)
        %dma_wait3A_177 = arith.constant 78 : i32
        %dma_wait3A_178 = arith.constant 0 : i32
        %dma_wait3A_179 = tpu.memref_slice %arg7[%dma_wait3A_177, %dma_wait3A_178] : memref<79x128xi32, #tpu.memory_space<vmem>> -> memref<1x128xi32, #tpu.memory_space<vmem>>
        %dma_wait3A_180 = arith.constant 0 : i32
        %dma_wait3A_181 = tpu.memref_slice %arg3[%run_scoped3A, %add3A_160, %dma_wait3A_180] : memref<2x2500x128xi32, #tpu.memory_space<hbm>> -> memref<1x1x128xi32, #tpu.memory_space<hbm>>
        %dma_wait3A_182 = tpu.memref_squeeze %dma_wait3A_181 : memref<1x1x128xi32, #tpu.memory_space<hbm>> -> memref<1x128xi32, #tpu.memory_space<hbm>>
        %dma_wait3A_183 = arith.constant 78 : i32
        %dma_wait3A_184 = arith.constant 0 : i32
        %dma_wait3A_185 = tpu.memref_slice %arg7[%dma_wait3A_183, %dma_wait3A_184] : memref<79x128xi32, #tpu.memory_space<vmem>> -> memref<1x128xi32, #tpu.memory_space<vmem>>
        %dma_wait3A_186 = arith.constant 0 : i32
        %dma_wait3A_187 = tpu.memref_slice %arg3[%run_scoped3A, %add3A_160, %dma_wait3A_186] : memref<2x2500x128xi32, #tpu.memory_space<hbm>> -> memref<1x1x128xi32, #tpu.memory_space<hbm>>
        %dma_wait3A_188 = tpu.memref_squeeze %dma_wait3A_187 : memref<1x1x128xi32, #tpu.memory_space<hbm>> -> memref<1x128xi32, #tpu.memory_space<hbm>>
        tpu.wait_dma2 semaphore(%run_scoped3A_164 : memref<!tpu.dma_semaphore, #tpu.memory_space<semaphore_mem>>) src(%dma_wait3A_188 : memref<1x128xi32, #tpu.memory_space<hbm>>) dst(%dma_wait3A_185 : memref<1x128xi32, #tpu.memory_space<vmem>>)
        tpu.yield
      }) : () -> ()
      %add3A_161 = arith.constant 2496 : i32
      %add3A_162 = arith.addi %add3A_161, %add3A : i32
      %run_scoped3A_163 = arith.constant 1 : i32
      "tpu.region"() ({
        %run_scoped3A_164 = tpu.sem_alloc : memref<!tpu.dma_semaphore, #tpu.memory_space<semaphore_mem>>
        %dma_start3A_165 = arith.constant 78 : i32
        %dma_start3A_166 = arith.constant 0 : i32
        %dma_start3A_167 = tpu.memref_slice %arg8[%dma_start3A_165, %dma_start3A_166] : memref<79x128xi32, #tpu.memory_space<vmem>> -> memref<1x128xi32, #tpu.memory_space<vmem>>
        %dma_start3A_168 = arith.constant 0 : i32
        %dma_start3A_169 = tpu.memref_slice %arg3[%run_scoped3A_163, %add3A_162, %dma_start3A_168] : memref<2x2500x128xi32, #tpu.memory_space<hbm>> -> memref<1x1x128xi32, #tpu.memory_space<hbm>>
        %dma_start3A_170 = tpu.memref_squeeze %dma_start3A_169 : memref<1x1x128xi32, #tpu.memory_space<hbm>> -> memref<1x128xi32, #tpu.memory_space<hbm>>
        %dma_start3A_171 = arith.constant 78 : i32
        %dma_start3A_172 = arith.constant 0 : i32
        %dma_start3A_173 = tpu.memref_slice %arg8[%dma_start3A_171, %dma_start3A_172] : memref<79x128xi32, #tpu.memory_space<vmem>> -> memref<1x128xi32, #tpu.memory_space<vmem>>
        %dma_start3A_174 = arith.constant 0 : i32
        %dma_start3A_175 = tpu.memref_slice %arg3[%run_scoped3A_163, %add3A_162, %dma_start3A_174] : memref<2x2500x128xi32, #tpu.memory_space<hbm>> -> memref<1x1x128xi32, #tpu.memory_space<hbm>>
        %dma_start3A_176 = tpu.memref_squeeze %dma_start3A_175 : memref<1x1x128xi32, #tpu.memory_space<hbm>> -> memref<1x128xi32, #tpu.memory_space<hbm>>
        tpu.enqueue_dma source(%dma_start3A_176 : memref<1x128xi32, #tpu.memory_space<hbm>>) target(%dma_start3A_173 : memref<1x128xi32, #tpu.memory_space<vmem>>) target_semaphore(%run_scoped3A_164 : memref<!tpu.dma_semaphore, #tpu.memory_space<semaphore_mem>>)
        %dma_wait3A_177 = arith.constant 78 : i32
        %dma_wait3A_178 = arith.constant 0 : i32
        %dma_wait3A_179 = tpu.memref_slice %arg8[%dma_wait3A_177, %dma_wait3A_178] : memref<79x128xi32, #tpu.memory_space<vmem>> -> memref<1x128xi32, #tpu.memory_space<vmem>>
        %dma_wait3A_180 = arith.constant 0 : i32
        %dma_wait3A_181 = tpu.memref_slice %arg3[%run_scoped3A_163, %add3A_162, %dma_wait3A_180] : memref<2x2500x128xi32, #tpu.memory_space<hbm>> -> memref<1x1x128xi32, #tpu.memory_space<hbm>>
        %dma_wait3A_182 = tpu.memref_squeeze %dma_wait3A_181 : memref<1x1x128xi32, #tpu.memory_space<hbm>> -> memref<1x128xi32, #tpu.memory_space<hbm>>
        %dma_wait3A_183 = arith.constant 78 : i32
        %dma_wait3A_184 = arith.constant 0 : i32
        %dma_wait3A_185 = tpu.memref_slice %arg8[%dma_wait3A_183, %dma_wait3A_184] : memref<79x128xi32, #tpu.memory_space<vmem>> -> memref<1x128xi32, #tpu.memory_space<vmem>>
        %dma_wait3A_186 = arith.constant 0 : i32
        %dma_wait3A_187 = tpu.memref_slice %arg3[%run_scoped3A_163, %add3A_162, %dma_wait3A_186] : memref<2x2500x128xi32, #tpu.memory_space<hbm>> -> memref<1x1x128xi32, #tpu.memory_space<hbm>>
        %dma_wait3A_188 = tpu.memref_squeeze %dma_wait3A_187 : memref<1x1x128xi32, #tpu.memory_space<hbm>> -> memref<1x128xi32, #tpu.memory_space<hbm>>
        tpu.wait_dma2 semaphore(%run_scoped3A_164 : memref<!tpu.dma_semaphore, #tpu.memory_space<semaphore_mem>>) src(%dma_wait3A_188 : memref<1x128xi32, #tpu.memory_space<hbm>>) dst(%dma_wait3A_185 : memref<1x128xi32, #tpu.memory_space<vmem>>)
        tpu.yield
      }) : () -> ()
    } else {
    }
    %broadcast_in_dim3A = arith.constant 0.000000e+00 : f32
    %broadcast_in_dim3A_38 = vector.broadcast %broadcast_in_dim3A : f32 to vector<16xf32>
    %scan3A = arith.constant 0 : i32
    %scan3A_39 = arith.constant 79 : i32
    %scan3A_40 = arith.addi %scan3A, %scan3A_39 : i32
    %scan3A_41 = arith.constant 1 : i32
    scf.for %scan3A_159 = %scan3A to %scan3A_40 step %scan3A_41  : i32 {
      %swap3A = arith.index_cast %scan3A_159 : i32 to index
      %swap3A_160 = arith.constant 0 : index
      %swap3A_161 = tpu.vector_load %arg15[%swap3A, %swap3A_160] {strides = array<i32>} : memref<79x72xf32, #tpu.memory_space<vmem>>, vector<1x16xf32>,
      %swap3A_162 = vector.shape_cast %swap3A_161 : vector<1x16xf32> to vector<16xf32>
      %swap3A_163 = vector.shape_cast %broadcast_in_dim3A_38 : vector<16xf32> to vector<1x16xf32>
      tpu.vector_store %arg15[%swap3A, %swap3A_160], %swap3A_163 {strides = array<i32>} : memref<79x72xf32, #tpu.memory_space<vmem>>, vector<1x16xf32>,
      %swap3A_164 = arith.index_cast %scan3A_159 : i32 to index
      %swap3A_165 = arith.constant 16 : index
      %swap3A_166 = tpu.vector_load %arg15[%swap3A_164, %swap3A_165] {strides = array<i32>} : memref<79x72xf32, #tpu.memory_space<vmem>>, vector<1x16xf32>,
      %swap3A_167 = vector.shape_cast %swap3A_166 : vector<1x16xf32> to vector<16xf32>
      %swap3A_168 = vector.shape_cast %broadcast_in_dim3A_38 : vector<16xf32> to vector<1x16xf32>
      tpu.vector_store %arg15[%swap3A_164, %swap3A_165], %swap3A_168 {strides = array<i32>} : memref<79x72xf32, #tpu.memory_space<vmem>>, vector<1x16xf32>,
      %swap3A_169 = arith.index_cast %scan3A_159 : i32 to index
      %swap3A_170 = arith.constant 32 : index
      %swap3A_171 = tpu.vector_load %arg15[%swap3A_169, %swap3A_170] {strides = array<i32>} : memref<79x72xf32, #tpu.memory_space<vmem>>, vector<1x16xf32>,
      %swap3A_172 = vector.shape_cast %swap3A_171 : vector<1x16xf32> to vector<16xf32>
      %swap3A_173 = vector.shape_cast %broadcast_in_dim3A_38 : vector<16xf32> to vector<1x16xf32>
      tpu.vector_store %arg15[%swap3A_169, %swap3A_170], %swap3A_173 {strides = array<i32>} : memref<79x72xf32, #tpu.memory_space<vmem>>, vector<1x16xf32>,
      %swap3A_174 = arith.index_cast %scan3A_159 : i32 to index
      %swap3A_175 = arith.constant 48 : index
      %swap3A_176 = tpu.vector_load %arg15[%swap3A_174, %swap3A_175] {strides = array<i32>} : memref<79x72xf32, #tpu.memory_space<vmem>>, vector<1x16xf32>,
      %swap3A_177 = vector.shape_cast %swap3A_176 : vector<1x16xf32> to vector<16xf32>
      %swap3A_178 = vector.shape_cast %broadcast_in_dim3A_38 : vector<16xf32> to vector<1x16xf32>
      tpu.vector_store %arg15[%swap3A_174, %swap3A_175], %swap3A_178 {strides = array<i32>} : memref<79x72xf32, #tpu.memory_space<vmem>>, vector<1x16xf32>,
    }
    %scan3A_42 = arith.constant 79 : i32
    %scan3A_43 = arith.constant 0 : i32
    %scan3A_44 = arith.constant 8 : i32
    %scan3A_45 = arith.addi %scan3A_43, %scan3A_44 : i32
    %scan3A_46 = arith.constant 1 : i32
    scf.for %scan3A_159 = %scan3A_43 to %scan3A_45 step %scan3A_46  : i32 {
      %mul3A_160 = arith.constant 632 : i32
      %mul3A_161 = arith.muli %arg1, %mul3A_160 : i32
      %mul3A_162 = arith.constant 79 : i32
      %mul3A_163 = arith.muli %scan3A_159, %mul3A_162 : i32
      %add3A_164 = arith.addi %mul3A_161, %mul3A_163 : i32
      "tpu.region"() ({
        %run_scoped3A = tpu.sem_alloc : memref<!tpu.dma_semaphore, #tpu.memory_space<semaphore_mem>>
        %dma_start3A_165 = arith.constant 0 : i32
        %dma_start3A_166 = tpu.memref_slice %arg6[%add3A_164, %dma_start3A_165] : memref<10112x72xf32, #tpu.memory_space<vmem_shared>> -> memref<79x72xf32, #tpu.memory_space<vmem_shared>>
        %dma_start3A_167 = arith.constant 0 : i32
        %dma_start3A_168 = tpu.memref_slice %arg6[%add3A_164, %dma_start3A_167] : memref<10112x72xf32, #tpu.memory_space<vmem_shared>> -> memref<79x72xf32, #tpu.memory_space<vmem_shared>>
        tpu.enqueue_dma source(%arg15 : memref<79x72xf32, #tpu.memory_space<vmem>>) target(%dma_start3A_168 : memref<79x72xf32, #tpu.memory_space<vmem_shared>>) target_semaphore(%run_scoped3A : memref<!tpu.dma_semaphore, #tpu.memory_space<semaphore_mem>>)
        %dma_wait3A_169 = arith.constant 0 : i32
        %dma_wait3A_170 = tpu.memref_slice %arg6[%add3A_164, %dma_wait3A_169] : memref<10112x72xf32, #tpu.memory_space<vmem_shared>> -> memref<79x72xf32, #tpu.memory_space<vmem_shared>>
        %dma_wait3A_171 = arith.constant 0 : i32
        %dma_wait3A_172 = tpu.memref_slice %arg6[%add3A_164, %dma_wait3A_171] : memref<10112x72xf32, #tpu.memory_space<vmem_shared>> -> memref<79x72xf32, #tpu.memory_space<vmem_shared>>
        tpu.wait_dma2 semaphore(%run_scoped3A : memref<!tpu.dma_semaphore, #tpu.memory_space<semaphore_mem>>) src(%arg15 : memref<79x72xf32, #tpu.memory_space<vmem>>) dst(%dma_wait3A_172 : memref<79x72xf32, #tpu.memory_space<vmem_shared>>)
        tpu.yield
      }) : () -> ()
    }
    %scan3A_47 = arith.constant 8 : i32
    %dma_wait3A = arith.constant 0 : i32
    %dma_wait3A_48 = arith.constant 0 : i32
    %dma_wait3A_49 = arith.constant 0 : i32
    %dma_wait3A_50 = arith.constant 0 : i32
    %dma_wait3A_51 = tpu.memref_slice %arg7[%dma_wait3A_49, %dma_wait3A_50] : memref<79x128xi32, #tpu.memory_space<vmem>> -> memref<78x128xi32, #tpu.memory_space<vmem>>
    %dma_wait3A_52 = arith.constant 0 : i32
    %dma_wait3A_53 = tpu.memref_slice %arg3[%dma_wait3A, %mul3A_2, %dma_wait3A_52] : memref<2x2500x128xi32, #tpu.memory_space<hbm>> -> memref<1x78x128xi32, #tpu.memory_space<hbm>>
    %dma_wait3A_54 = tpu.memref_squeeze %dma_wait3A_53 : memref<1x78x128xi32, #tpu.memory_space<hbm>> -> memref<78x128xi32, #tpu.memory_space<hbm>>
    %dma_wait3A_55 = tpu.memref_slice %arg16[%dma_wait3A_48] : memref<6x!tpu.dma_semaphore, #tpu.memory_space<semaphore_mem>> -> memref<1x!tpu.dma_semaphore, #tpu.memory_space<semaphore_mem>>
    %dma_wait3A_56 = tpu.memref_squeeze %dma_wait3A_55 : memref<1x!tpu.dma_semaphore, #tpu.memory_space<semaphore_mem>> -> memref<!tpu.dma_semaphore, #tpu.memory_space<semaphore_mem>>
    %dma_wait3A_57 = arith.constant 0 : i32
    %dma_wait3A_58 = arith.constant 0 : i32
    %dma_wait3A_59 = tpu.memref_slice %arg7[%dma_wait3A_57, %dma_wait3A_58] : memref<79x128xi32, #tpu.memory_space<vmem>> -> memref<78x128xi32, #tpu.memory_space<vmem>>
    %dma_wait3A_60 = arith.constant 0 : i32
    %dma_wait3A_61 = tpu.memref_slice %arg3[%dma_wait3A, %mul3A_2, %dma_wait3A_60] : memref<2x2500x128xi32, #tpu.memory_space<hbm>> -> memref<1x78x128xi32, #tpu.memory_space<hbm>>
    %dma_wait3A_62 = tpu.memref_squeeze %dma_wait3A_61 : memref<1x78x128xi32, #tpu.memory_space<hbm>> -> memref<78x128xi32, #tpu.memory_space<hbm>>
    tpu.wait_dma2 semaphore(%dma_wait3A_56 : memref<!tpu.dma_semaphore, #tpu.memory_space<semaphore_mem>>) src(%dma_wait3A_62 : memref<78x128xi32, #tpu.memory_space<hbm>>) dst(%dma_wait3A_59 : memref<78x128xi32, #tpu.memory_space<vmem>>)
    %dma_wait3A_63 = arith.constant 1 : i32
    %dma_wait3A_64 = arith.constant 1 : i32
    %dma_wait3A_65 = arith.constant 0 : i32
    %dma_wait3A_66 = arith.constant 0 : i32
    %dma_wait3A_67 = tpu.memref_slice %arg8[%dma_wait3A_65, %dma_wait3A_66] : memref<79x128xi32, #tpu.memory_space<vmem>> -> memref<78x128xi32, #tpu.memory_space<vmem>>
    %dma_wait3A_68 = arith.constant 0 : i32
    %dma_wait3A_69 = tpu.memref_slice %arg3[%dma_wait3A_63, %mul3A_19, %dma_wait3A_68] : memref<2x2500x128xi32, #tpu.memory_space<hbm>> -> memref<1x78x128xi32, #tpu.memory_space<hbm>>
    %dma_wait3A_70 = tpu.memref_squeeze %dma_wait3A_69 : memref<1x78x128xi32, #tpu.memory_space<hbm>> -> memref<78x128xi32, #tpu.memory_space<hbm>>
    %dma_wait3A_71 = tpu.memref_slice %arg16[%dma_wait3A_64] : memref<6x!tpu.dma_semaphore, #tpu.memory_space<semaphore_mem>> -> memref<1x!tpu.dma_semaphore, #tpu.memory_space<semaphore_mem>>
    %dma_wait3A_72 = tpu.memref_squeeze %dma_wait3A_71 : memref<1x!tpu.dma_semaphore, #tpu.memory_space<semaphore_mem>> -> memref<!tpu.dma_semaphore, #tpu.memory_space<semaphore_mem>>
    %dma_wait3A_73 = arith.constant 0 : i32
    %dma_wait3A_74 = arith.constant 0 : i32
    %dma_wait3A_75 = tpu.memref_slice %arg8[%dma_wait3A_73, %dma_wait3A_74] : memref<79x128xi32, #tpu.memory_space<vmem>> -> memref<78x128xi32, #tpu.memory_space<vmem>>
    %dma_wait3A_76 = arith.constant 0 : i32
    %dma_wait3A_77 = tpu.memref_slice %arg3[%dma_wait3A_63, %mul3A_19, %dma_wait3A_76] : memref<2x2500x128xi32, #tpu.memory_space<hbm>> -> memref<1x78x128xi32, #tpu.memory_space<hbm>>
    %dma_wait3A_78 = tpu.memref_squeeze %dma_wait3A_77 : memref<1x78x128xi32, #tpu.memory_space<hbm>> -> memref<78x128xi32, #tpu.memory_space<hbm>>
    tpu.wait_dma2 semaphore(%dma_wait3A_72 : memref<!tpu.dma_semaphore, #tpu.memory_space<semaphore_mem>>) src(%dma_wait3A_78 : memref<78x128xi32, #tpu.memory_space<hbm>>) dst(%dma_wait3A_75 : memref<78x128xi32, #tpu.memory_space<vmem>>)
    %barrier3A = arith.constant 0 : index
    tpu.barrier barrier_id(%barrier3A)
    %dma_start3A_79 = arith.constant 0 : i32
    %dma_start3A_80 = arith.constant 0 : i32
    %dma_start3A_81 = arith.constant 0 : i32
    %dma_start3A_82 = tpu.memref_slice %arg8[%dma_start3A_79, %dma_start3A_81] : memref<79x128xi32, #tpu.memory_space<vmem>> -> memref<1x128xi32, #tpu.memory_space<vmem>>
    %dma_start3A_83 = tpu.memref_squeeze %dma_start3A_82 : memref<1x128xi32, #tpu.memory_space<vmem>> -> memref<128xi32, #tpu.memory_space<vmem>>
    %dma_start3A_84 = arith.constant 0 : i32
    %dma_start3A_85 = arith.constant 0 : i32
    %dma_start3A_86 = tpu.memref_slice %arg2[%dma_start3A_84, %dma_start3A_85] : memref<10112x72xf32, #tpu.memory_space<hbm>> -> memref<10112x72xf32, #tpu.memory_space<hbm>>
    %dma_start3A_87 = tpu.memref_slice %arg16[%dma_start3A_80] : memref<6x!tpu.dma_semaphore, #tpu.memory_space<semaphore_mem>> -> memref<1x!tpu.dma_semaphore, #tpu.memory_space<semaphore_mem>>
    %dma_start3A_88 = tpu.memref_squeeze %dma_start3A_87 : memref<1x!tpu.dma_semaphore, #tpu.memory_space<semaphore_mem>> -> memref<!tpu.dma_semaphore, #tpu.memory_space<semaphore_mem>>
    tpu.enqueue_indirect_dma source(%dma_start3A_86 : memref<10112x72xf32, #tpu.memory_space<hbm>>) target(%arg9 : memref<128x72xf32, #tpu.memory_space<vmem>>) offsets(%dma_start3A_83 : memref<128xi32, #tpu.memory_space<vmem>>) semaphore(%dma_start3A_88 : memref<!tpu.dma_semaphore, #tpu.memory_space<semaphore_mem>>)
    %dma_start3A_89 = arith.constant 0 : i32
    %dma_start3A_90 = arith.constant 1 : i32
    %dma_start3A_91 = arith.constant 0 : i32
    %dma_start3A_92 = tpu.memref_slice %arg7[%dma_start3A_89, %dma_start3A_91] : memref<79x128xi32, #tpu.memory_space<vmem>> -> memref<1x128xi32, #tpu.memory_space<vmem>>
    %dma_start3A_93 = tpu.memref_squeeze %dma_start3A_92 : memref<1x128xi32, #tpu.memory_space<vmem>> -> memref<128xi32, #tpu.memory_space<vmem>>
    %dma_start3A_94 = arith.constant 0 : i32
    %dma_start3A_95 = arith.constant 0 : i32
    %dma_start3A_96 = tpu.memref_slice %arg2[%dma_start3A_94, %dma_start3A_95] : memref<10112x72xf32, #tpu.memory_space<hbm>> -> memref<10112x72xf32, #tpu.memory_space<hbm>>
    %dma_start3A_97 = tpu.memref_slice %arg16[%dma_start3A_90] : memref<6x!tpu.dma_semaphore, #tpu.memory_space<semaphore_mem>> -> memref<1x!tpu.dma_semaphore, #tpu.memory_space<semaphore_mem>>
    %dma_start3A_98 = tpu.memref_squeeze %dma_start3A_97 : memref<1x!tpu.dma_semaphore, #tpu.memory_space<semaphore_mem>> -> memref<!tpu.dma_semaphore, #tpu.memory_space<semaphore_mem>>
    tpu.enqueue_indirect_dma source(%dma_start3A_96 : memref<10112x72xf32, #tpu.memory_space<hbm>>) target(%arg10 : memref<128x72xf32, #tpu.memory_space<vmem>>) offsets(%dma_start3A_93 : memref<128xi32, #tpu.memory_space<vmem>>) semaphore(%dma_start3A_98 : memref<!tpu.dma_semaphore, #tpu.memory_space<semaphore_mem>>)
    %dma_start3A_99 = arith.constant 1 : i32
    %dma_start3A_100 = arith.constant 2 : i32
    %dma_start3A_101 = arith.constant 0 : i32
    %dma_start3A_102 = tpu.memref_slice %arg8[%dma_start3A_99, %dma_start3A_101] : memref<79x128xi32, #tpu.memory_space<vmem>> -> memref<1x128xi32, #tpu.memory_space<vmem>>
    %dma_start3A_103 = tpu.memref_squeeze %dma_start3A_102 : memref<1x128xi32, #tpu.memory_space<vmem>> -> memref<128xi32, #tpu.memory_space<vmem>>
    %dma_start3A_104 = arith.constant 0 : i32
    %dma_start3A_105 = arith.constant 0 : i32
    %dma_start3A_106 = tpu.memref_slice %arg2[%dma_start3A_104, %dma_start3A_105] : memref<10112x72xf32, #tpu.memory_space<hbm>> -> memref<10112x72xf32, #tpu.memory_space<hbm>>
    %dma_start3A_107 = tpu.memref_slice %arg16[%dma_start3A_100] : memref<6x!tpu.dma_semaphore, #tpu.memory_space<semaphore_mem>> -> memref<1x!tpu.dma_semaphore, #tpu.memory_space<semaphore_mem>>
    %dma_start3A_108 = tpu.memref_squeeze %dma_start3A_107 : memref<1x!tpu.dma_semaphore, #tpu.memory_space<semaphore_mem>> -> memref<!tpu.dma_semaphore, #tpu.memory_space<semaphore_mem>>
    tpu.enqueue_indirect_dma source(%dma_start3A_106 : memref<10112x72xf32, #tpu.memory_space<hbm>>) target(%arg11 : memref<128x72xf32, #tpu.memory_space<vmem>>) offsets(%dma_start3A_103 : memref<128xi32, #tpu.memory_space<vmem>>) semaphore(%dma_start3A_108 : memref<!tpu.dma_semaphore, #tpu.memory_space<semaphore_mem>>)
    %dma_start3A_109 = arith.constant 1 : i32
    %dma_start3A_110 = arith.constant 3 : i32
    %dma_start3A_111 = arith.constant 0 : i32
    %dma_start3A_112 = tpu.memref_slice %arg7[%dma_start3A_109, %dma_start3A_111] : memref<79x128xi32, #tpu.memory_space<vmem>> -> memref<1x128xi32, #tpu.memory_space<vmem>>
    %dma_start3A_113 = tpu.memref_squeeze %dma_start3A_112 : memref<1x128xi32, #tpu.memory_space<vmem>> -> memref<128xi32, #tpu.memory_space<vmem>>
    %dma_start3A_114 = arith.constant 0 : i32
    %dma_start3A_115 = arith.constant 0 : i32
    %dma_start3A_116 = tpu.memref_slice %arg2[%dma_start3A_114, %dma_start3A_115] : memref<10112x72xf32, #tpu.memory_space<hbm>> -> memref<10112x72xf32, #tpu.memory_space<hbm>>
    %dma_start3A_117 = tpu.memref_slice %arg16[%dma_start3A_110] : memref<6x!tpu.dma_semaphore, #tpu.memory_space<semaphore_mem>> -> memref<1x!tpu.dma_semaphore, #tpu.memory_space<semaphore_mem>>
    %dma_start3A_118 = tpu.memref_squeeze %dma_start3A_117 : memref<1x!tpu.dma_semaphore, #tpu.memory_space<semaphore_mem>> -> memref<!tpu.dma_semaphore, #tpu.memory_space<semaphore_mem>>
    tpu.enqueue_indirect_dma source(%dma_start3A_116 : memref<10112x72xf32, #tpu.memory_space<hbm>>) target(%arg12 : memref<128x72xf32, #tpu.memory_space<vmem>>) offsets(%dma_start3A_113 : memref<128xi32, #tpu.memory_space<vmem>>) semaphore(%dma_start3A_118 : memref<!tpu.dma_semaphore, #tpu.memory_space<semaphore_mem>>)
    %dma_start3A_119 = arith.constant 2 : i32
    %dma_start3A_120 = arith.constant 4 : i32
    %dma_start3A_121 = arith.constant 0 : i32
    %dma_start3A_122 = tpu.memref_slice %arg8[%dma_start3A_119, %dma_start3A_121] : memref<79x128xi32, #tpu.memory_space<vmem>> -> memref<1x128xi32, #tpu.memory_space<vmem>>
    %dma_start3A_123 = tpu.memref_squeeze %dma_start3A_122 : memref<1x128xi32, #tpu.memory_space<vmem>> -> memref<128xi32, #tpu.memory_space<vmem>>
    %dma_start3A_124 = arith.constant 0 : i32
    %dma_start3A_125 = arith.constant 0 : i32
    %dma_start3A_126 = tpu.memref_slice %arg2[%dma_start3A_124, %dma_start3A_125] : memref<10112x72xf32, #tpu.memory_space<hbm>> -> memref<10112x72xf32, #tpu.memory_space<hbm>>
    %dma_start3A_127 = tpu.memref_slice %arg16[%dma_start3A_120] : memref<6x!tpu.dma_semaphore, #tpu.memory_space<semaphore_mem>> -> memref<1x!tpu.dma_semaphore, #tpu.memory_space<semaphore_mem>>
    %dma_start3A_128 = tpu.memref_squeeze %dma_start3A_127 : memref<1x!tpu.dma_semaphore, #tpu.memory_space<semaphore_mem>> -> memref<!tpu.dma_semaphore, #tpu.memory_space<semaphore_mem>>
    tpu.enqueue_indirect_dma source(%dma_start3A_126 : memref<10112x72xf32, #tpu.memory_space<hbm>>) target(%arg13 : memref<128x72xf32, #tpu.memory_space<vmem>>) offsets(%dma_start3A_123 : memref<128xi32, #tpu.memory_space<vmem>>) semaphore(%dma_start3A_128 : memref<!tpu.dma_semaphore, #tpu.memory_space<semaphore_mem>>)
    %dma_start3A_129 = arith.constant 2 : i32
    %dma_start3A_130 = arith.constant 5 : i32
    %dma_start3A_131 = arith.constant 0 : i32
    %dma_start3A_132 = tpu.memref_slice %arg7[%dma_start3A_129, %dma_start3A_131] : memref<79x128xi32, #tpu.memory_space<vmem>> -> memref<1x128xi32, #tpu.memory_space<vmem>>
    %dma_start3A_133 = tpu.memref_squeeze %dma_start3A_132 : memref<1x128xi32, #tpu.memory_space<vmem>> -> memref<128xi32, #tpu.memory_space<vmem>>
    %dma_start3A_134 = arith.constant 0 : i32
    %dma_start3A_135 = arith.constant 0 : i32
    %dma_start3A_136 = tpu.memref_slice %arg2[%dma_start3A_134, %dma_start3A_135] : memref<10112x72xf32, #tpu.memory_space<hbm>> -> memref<10112x72xf32, #tpu.memory_space<hbm>>
    %dma_start3A_137 = tpu.memref_slice %arg16[%dma_start3A_130] : memref<6x!tpu.dma_semaphore, #tpu.memory_space<semaphore_mem>> -> memref<1x!tpu.dma_semaphore, #tpu.memory_space<semaphore_mem>>
    %dma_start3A_138 = tpu.memref_squeeze %dma_start3A_137 : memref<1x!tpu.dma_semaphore, #tpu.memory_space<semaphore_mem>> -> memref<!tpu.dma_semaphore, #tpu.memory_space<semaphore_mem>>
    tpu.enqueue_indirect_dma source(%dma_start3A_136 : memref<10112x72xf32, #tpu.memory_space<hbm>>) target(%arg14 : memref<128x72xf32, #tpu.memory_space<vmem>>) offsets(%dma_start3A_133 : memref<128xi32, #tpu.memory_space<vmem>>) semaphore(%dma_start3A_138 : memref<!tpu.dma_semaphore, #tpu.memory_space<semaphore_mem>>)
    %scan3A_139 = arith.constant 0 : i32
    %scan3A_140 = arith.constant 26 : i32
    %scan3A_141 = arith.addi %scan3A_139, %scan3A_140 : i32
    %scan3A_142 = arith.constant 1 : i32
    scf.for %scan3A_159 = %scan3A_139 to %scan3A_141 step %scan3A_142  : i32 {
      %mul3A_160 = arith.constant 3 : i32
      %mul3A_161 = arith.muli %mul3A_160, %scan3A_159 : i32
      %add3A_162 = arith.constant 0 : i32
      %add3A_163 = arith.addi %mul3A_161, %add3A_162 : i32
      %dma_wait3A_164 = arith.constant 0 : i32
      %dma_wait3A_165 = arith.constant 0 : i32
      %dma_wait3A_166 = tpu.memref_slice %arg8[%add3A_163, %dma_wait3A_165] : memref<79x128xi32, #tpu.memory_space<vmem>> -> memref<1x128xi32, #tpu.memory_space<vmem>>
      %dma_wait3A_167 = tpu.memref_squeeze %dma_wait3A_166 : memref<1x128xi32, #tpu.memory_space<vmem>> -> memref<128xi32, #tpu.memory_space<vmem>>
      %dma_wait3A_168 = arith.constant 0 : i32
      %dma_wait3A_169 = arith.constant 0 : i32
      %dma_wait3A_170 = tpu.memref_slice %arg2[%dma_wait3A_168, %dma_wait3A_169] : memref<10112x72xf32, #tpu.memory_space<hbm>> -> memref<10112x72xf32, #tpu.memory_space<hbm>>
      %dma_wait3A_171 = tpu.memref_slice %arg16[%dma_wait3A_164] : memref<6x!tpu.dma_semaphore, #tpu.memory_space<semaphore_mem>> -> memref<1x!tpu.dma_semaphore, #tpu.memory_space<semaphore_mem>>
      %dma_wait3A_172 = tpu.memref_squeeze %dma_wait3A_171 : memref<1x!tpu.dma_semaphore, #tpu.memory_space<semaphore_mem>> -> memref<!tpu.dma_semaphore, #tpu.memory_space<semaphore_mem>>
      tpu.wait_indirect_dma semaphore(%dma_wait3A_172 : memref<!tpu.dma_semaphore, #tpu.memory_space<semaphore_mem>>) src(%dma_wait3A_170 : memref<10112x72xf32, #tpu.memory_space<hbm>>) dst(%arg9 : memref<128x72xf32, #tpu.memory_space<vmem>>)
      %mul3A_173 = arith.constant 3 : i32
      %mul3A_174 = arith.muli %mul3A_173, %scan3A_159 : i32
      %add3A_175 = arith.constant 0 : i32
      %add3A_176 = arith.addi %mul3A_174, %add3A_175 : i32
      %dma_start3A_177 = arith.constant 0 : i32
      %dma_start3A_178 = arith.constant 0 : i32
      %dma_start3A_179 = tpu.memref_slice %arg7[%add3A_176, %dma_start3A_178] : memref<79x128xi32, #tpu.memory_space<vmem>> -> memref<1x128xi32, #tpu.memory_space<vmem>>
      %dma_start3A_180 = tpu.memref_squeeze %dma_start3A_179 : memref<1x128xi32, #tpu.memory_space<vmem>> -> memref<128xi32, #tpu.memory_space<vmem>>
      %dma_start3A_181 = arith.constant 0 : i32
      %dma_start3A_182 = arith.constant 0 : i32
      %dma_start3A_183 = tpu.memref_slice %arg6[%dma_start3A_181, %dma_start3A_182] : memref<10112x72xf32, #tpu.memory_space<vmem_shared>> -> memref<10112x72xf32, #tpu.memory_space<vmem_shared>>
      %dma_start3A_184 = tpu.memref_slice %arg17[%dma_start3A_177] : memref<6x!tpu.dma_semaphore, #tpu.memory_space<semaphore_mem>> -> memref<1x!tpu.dma_semaphore, #tpu.memory_space<semaphore_mem>>
      %dma_start3A_185 = tpu.memref_squeeze %dma_start3A_184 : memref<1x!tpu.dma_semaphore, #tpu.memory_space<semaphore_mem>> -> memref<!tpu.dma_semaphore, #tpu.memory_space<semaphore_mem>>
      tpu.enqueue_indirect_dma source(%arg9 : memref<128x72xf32, #tpu.memory_space<vmem>>) target(%dma_start3A_183 : memref<10112x72xf32, #tpu.memory_space<vmem_shared>>) offsets(%dma_start3A_180 : memref<128xi32, #tpu.memory_space<vmem>>) semaphore(%dma_start3A_185 : memref<!tpu.dma_semaphore, #tpu.memory_space<semaphore_mem>>) {add = true}
      %mul3A_186 = arith.constant 3 : i32
      %mul3A_187 = arith.muli %mul3A_186, %scan3A_159 : i32
      %add3A_188 = arith.constant 0 : i32
      %add3A_189 = arith.addi %mul3A_187, %add3A_188 : i32
      %dma_wait3A_190 = arith.constant 1 : i32
      %dma_wait3A_191 = arith.constant 0 : i32
      %dma_wait3A_192 = tpu.memref_slice %arg7[%add3A_189, %dma_wait3A_191] : memref<79x128xi32, #tpu.memory_space<vmem>> -> memref<1x128xi32, #tpu.memory_space<vmem>>
      %dma_wait3A_193 = tpu.memref_squeeze %dma_wait3A_192 : memref<1x128xi32, #tpu.memory_space<vmem>> -> memref<128xi32, #tpu.memory_space<vmem>>
      %dma_wait3A_194 = arith.constant 0 : i32
      %dma_wait3A_195 = arith.constant 0 : i32
      %dma_wait3A_196 = tpu.memref_slice %arg2[%dma_wait3A_194, %dma_wait3A_195] : memref<10112x72xf32, #tpu.memory_space<hbm>> -> memref<10112x72xf32, #tpu.memory_space<hbm>>
      %dma_wait3A_197 = tpu.memref_slice %arg16[%dma_wait3A_190] : memref<6x!tpu.dma_semaphore, #tpu.memory_space<semaphore_mem>> -> memref<1x!tpu.dma_semaphore, #tpu.memory_space<semaphore_mem>>
      %dma_wait3A_198 = tpu.memref_squeeze %dma_wait3A_197 : memref<1x!tpu.dma_semaphore, #tpu.memory_space<semaphore_mem>> -> memref<!tpu.dma_semaphore, #tpu.memory_space<semaphore_mem>>
      tpu.wait_indirect_dma semaphore(%dma_wait3A_198 : memref<!tpu.dma_semaphore, #tpu.memory_space<semaphore_mem>>) src(%dma_wait3A_196 : memref<10112x72xf32, #tpu.memory_space<hbm>>) dst(%arg10 : memref<128x72xf32, #tpu.memory_space<vmem>>)
      %mul3A_199 = arith.constant 3 : i32
      %mul3A_200 = arith.muli %mul3A_199, %scan3A_159 : i32
      %add3A_201 = arith.constant 0 : i32
      %add3A_202 = arith.addi %mul3A_200, %add3A_201 : i32
      %dma_start3A_203 = arith.constant 1 : i32
      %dma_start3A_204 = arith.constant 0 : i32
      %dma_start3A_205 = tpu.memref_slice %arg8[%add3A_202, %dma_start3A_204] : memref<79x128xi32, #tpu.memory_space<vmem>> -> memref<1x128xi32, #tpu.memory_space<vmem>>
      %dma_start3A_206 = tpu.memref_squeeze %dma_start3A_205 : memref<1x128xi32, #tpu.memory_space<vmem>> -> memref<128xi32, #tpu.memory_space<vmem>>
      %dma_start3A_207 = arith.constant 0 : i32
      %dma_start3A_208 = arith.constant 0 : i32
      %dma_start3A_209 = tpu.memref_slice %arg6[%dma_start3A_207, %dma_start3A_208] : memref<10112x72xf32, #tpu.memory_space<vmem_shared>> -> memref<10112x72xf32, #tpu.memory_space<vmem_shared>>
      %dma_start3A_210 = tpu.memref_slice %arg17[%dma_start3A_203] : memref<6x!tpu.dma_semaphore, #tpu.memory_space<semaphore_mem>> -> memref<1x!tpu.dma_semaphore, #tpu.memory_space<semaphore_mem>>
      %dma_start3A_211 = tpu.memref_squeeze %dma_start3A_210 : memref<1x!tpu.dma_semaphore, #tpu.memory_space<semaphore_mem>> -> memref<!tpu.dma_semaphore, #tpu.memory_space<semaphore_mem>>
      tpu.enqueue_indirect_dma source(%arg10 : memref<128x72xf32, #tpu.memory_space<vmem>>) target(%dma_start3A_209 : memref<10112x72xf32, #tpu.memory_space<vmem_shared>>) offsets(%dma_start3A_206 : memref<128xi32, #tpu.memory_space<vmem>>) semaphore(%dma_start3A_211 : memref<!tpu.dma_semaphore, #tpu.memory_space<semaphore_mem>>) {add = true}
      %mul3A_212 = arith.constant 3 : i32
      %mul3A_213 = arith.muli %mul3A_212, %scan3A_159 : i32
      %add3A_214 = arith.constant 1 : i32
      %add3A_215 = arith.addi %mul3A_213, %add3A_214 : i32
      %dma_wait3A_216 = arith.constant 2 : i32
      %dma_wait3A_217 = arith.constant 0 : i32
      %dma_wait3A_218 = tpu.memref_slice %arg8[%add3A_215, %dma_wait3A_217] : memref<79x128xi32, #tpu.memory_space<vmem>> -> memref<1x128xi32, #tpu.memory_space<vmem>>
      %dma_wait3A_219 = tpu.memref_squeeze %dma_wait3A_218 : memref<1x128xi32, #tpu.memory_space<vmem>> -> memref<128xi32, #tpu.memory_space<vmem>>
      %dma_wait3A_220 = arith.constant 0 : i32
      %dma_wait3A_221 = arith.constant 0 : i32
      %dma_wait3A_222 = tpu.memref_slice %arg2[%dma_wait3A_220, %dma_wait3A_221] : memref<10112x72xf32, #tpu.memory_space<hbm>> -> memref<10112x72xf32, #tpu.memory_space<hbm>>
      %dma_wait3A_223 = tpu.memref_slice %arg16[%dma_wait3A_216] : memref<6x!tpu.dma_semaphore, #tpu.memory_space<semaphore_mem>> -> memref<1x!tpu.dma_semaphore, #tpu.memory_space<semaphore_mem>>
      %dma_wait3A_224 = tpu.memref_squeeze %dma_wait3A_223 : memref<1x!tpu.dma_semaphore, #tpu.memory_space<semaphore_mem>> -> memref<!tpu.dma_semaphore, #tpu.memory_space<semaphore_mem>>
      tpu.wait_indirect_dma semaphore(%dma_wait3A_224 : memref<!tpu.dma_semaphore, #tpu.memory_space<semaphore_mem>>) src(%dma_wait3A_222 : memref<10112x72xf32, #tpu.memory_space<hbm>>) dst(%arg11 : memref<128x72xf32, #tpu.memory_space<vmem>>)
      %mul3A_225 = arith.constant 3 : i32
      %mul3A_226 = arith.muli %mul3A_225, %scan3A_159 : i32
      %add3A_227 = arith.constant 1 : i32
      %add3A_228 = arith.addi %mul3A_226, %add3A_227 : i32
      %dma_start3A_229 = arith.constant 2 : i32
      %dma_start3A_230 = arith.constant 0 : i32
      %dma_start3A_231 = tpu.memref_slice %arg7[%add3A_228, %dma_start3A_230] : memref<79x128xi32, #tpu.memory_space<vmem>> -> memref<1x128xi32, #tpu.memory_space<vmem>>
      %dma_start3A_232 = tpu.memref_squeeze %dma_start3A_231 : memref<1x128xi32, #tpu.memory_space<vmem>> -> memref<128xi32, #tpu.memory_space<vmem>>
      %dma_start3A_233 = arith.constant 0 : i32
      %dma_start3A_234 = arith.constant 0 : i32
      %dma_start3A_235 = tpu.memref_slice %arg6[%dma_start3A_233, %dma_start3A_234] : memref<10112x72xf32, #tpu.memory_space<vmem_shared>> -> memref<10112x72xf32, #tpu.memory_space<vmem_shared>>
      %dma_start3A_236 = tpu.memref_slice %arg17[%dma_start3A_229] : memref<6x!tpu.dma_semaphore, #tpu.memory_space<semaphore_mem>> -> memref<1x!tpu.dma_semaphore, #tpu.memory_space<semaphore_mem>>
      %dma_start3A_237 = tpu.memref_squeeze %dma_start3A_236 : memref<1x!tpu.dma_semaphore, #tpu.memory_space<semaphore_mem>> -> memref<!tpu.dma_semaphore, #tpu.memory_space<semaphore_mem>>
      tpu.enqueue_indirect_dma source(%arg11 : memref<128x72xf32, #tpu.memory_space<vmem>>) target(%dma_start3A_235 : memref<10112x72xf32, #tpu.memory_space<vmem_shared>>) offsets(%dma_start3A_232 : memref<128xi32, #tpu.memory_space<vmem>>) semaphore(%dma_start3A_237 : memref<!tpu.dma_semaphore, #tpu.memory_space<semaphore_mem>>) {add = true}
      %mul3A_238 = arith.constant 3 : i32
      %mul3A_239 = arith.muli %mul3A_238, %scan3A_159 : i32
      %add3A_240 = arith.constant 1 : i32
      %add3A_241 = arith.addi %mul3A_239, %add3A_240 : i32
      %dma_wait3A_242 = arith.constant 3 : i32
      %dma_wait3A_243 = arith.constant 0 : i32
      %dma_wait3A_244 = tpu.memref_slice %arg7[%add3A_241, %dma_wait3A_243] : memref<79x128xi32, #tpu.memory_space<vmem>> -> memref<1x128xi32, #tpu.memory_space<vmem>>
      %dma_wait3A_245 = tpu.memref_squeeze %dma_wait3A_244 : memref<1x128xi32, #tpu.memory_space<vmem>> -> memref<128xi32, #tpu.memory_space<vmem>>
      %dma_wait3A_246 = arith.constant 0 : i32
      %dma_wait3A_247 = arith.constant 0 : i32
      %dma_wait3A_248 = tpu.memref_slice %arg2[%dma_wait3A_246, %dma_wait3A_247] : memref<10112x72xf32, #tpu.memory_space<hbm>> -> memref<10112x72xf32, #tpu.memory_space<hbm>>
      %dma_wait3A_249 = tpu.memref_slice %arg16[%dma_wait3A_242] : memref<6x!tpu.dma_semaphore, #tpu.memory_space<semaphore_mem>> -> memref<1x!tpu.dma_semaphore, #tpu.memory_space<semaphore_mem>>
      %dma_wait3A_250 = tpu.memref_squeeze %dma_wait3A_249 : memref<1x!tpu.dma_semaphore, #tpu.memory_space<semaphore_mem>> -> memref<!tpu.dma_semaphore, #tpu.memory_space<semaphore_mem>>
      tpu.wait_indirect_dma semaphore(%dma_wait3A_250 : memref<!tpu.dma_semaphore, #tpu.memory_space<semaphore_mem>>) src(%dma_wait3A_248 : memref<10112x72xf32, #tpu.memory_space<hbm>>) dst(%arg12 : memref<128x72xf32, #tpu.memory_space<vmem>>)
      %mul3A_251 = arith.constant 3 : i32
      %mul3A_252 = arith.muli %mul3A_251, %scan3A_159 : i32
      %add3A_253 = arith.constant 1 : i32
      %add3A_254 = arith.addi %mul3A_252, %add3A_253 : i32
      %dma_start3A_255 = arith.constant 3 : i32
      %dma_start3A_256 = arith.constant 0 : i32
      %dma_start3A_257 = tpu.memref_slice %arg8[%add3A_254, %dma_start3A_256] : memref<79x128xi32, #tpu.memory_space<vmem>> -> memref<1x128xi32, #tpu.memory_space<vmem>>
      %dma_start3A_258 = tpu.memref_squeeze %dma_start3A_257 : memref<1x128xi32, #tpu.memory_space<vmem>> -> memref<128xi32, #tpu.memory_space<vmem>>
      %dma_start3A_259 = arith.constant 0 : i32
      %dma_start3A_260 = arith.constant 0 : i32
      %dma_start3A_261 = tpu.memref_slice %arg6[%dma_start3A_259, %dma_start3A_260] : memref<10112x72xf32, #tpu.memory_space<vmem_shared>> -> memref<10112x72xf32, #tpu.memory_space<vmem_shared>>
      %dma_start3A_262 = tpu.memref_slice %arg17[%dma_start3A_255] : memref<6x!tpu.dma_semaphore, #tpu.memory_space<semaphore_mem>> -> memref<1x!tpu.dma_semaphore, #tpu.memory_space<semaphore_mem>>
      %dma_start3A_263 = tpu.memref_squeeze %dma_start3A_262 : memref<1x!tpu.dma_semaphore, #tpu.memory_space<semaphore_mem>> -> memref<!tpu.dma_semaphore, #tpu.memory_space<semaphore_mem>>
      tpu.enqueue_indirect_dma source(%arg12 : memref<128x72xf32, #tpu.memory_space<vmem>>) target(%dma_start3A_261 : memref<10112x72xf32, #tpu.memory_space<vmem_shared>>) offsets(%dma_start3A_258 : memref<128xi32, #tpu.memory_space<vmem>>) semaphore(%dma_start3A_263 : memref<!tpu.dma_semaphore, #tpu.memory_space<semaphore_mem>>) {add = true}
      %mul3A_264 = arith.constant 3 : i32
      %mul3A_265 = arith.muli %mul3A_264, %scan3A_159 : i32
      %add3A_266 = arith.constant 2 : i32
      %add3A_267 = arith.addi %mul3A_265, %add3A_266 : i32
      %dma_wait3A_268 = arith.constant 4 : i32
      %dma_wait3A_269 = arith.constant 0 : i32
      %dma_wait3A_270 = tpu.memref_slice %arg8[%add3A_267, %dma_wait3A_269] : memref<79x128xi32, #tpu.memory_space<vmem>> -> memref<1x128xi32, #tpu.memory_space<vmem>>
      %dma_wait3A_271 = tpu.memref_squeeze %dma_wait3A_270 : memref<1x128xi32, #tpu.memory_space<vmem>> -> memref<128xi32, #tpu.memory_space<vmem>>
      %dma_wait3A_272 = arith.constant 0 : i32
      %dma_wait3A_273 = arith.constant 0 : i32
      %dma_wait3A_274 = tpu.memref_slice %arg2[%dma_wait3A_272, %dma_wait3A_273] : memref<10112x72xf32, #tpu.memory_space<hbm>> -> memref<10112x72xf32, #tpu.memory_space<hbm>>
      %dma_wait3A_275 = tpu.memref_slice %arg16[%dma_wait3A_268] : memref<6x!tpu.dma_semaphore, #tpu.memory_space<semaphore_mem>> -> memref<1x!tpu.dma_semaphore, #tpu.memory_space<semaphore_mem>>
      %dma_wait3A_276 = tpu.memref_squeeze %dma_wait3A_275 : memref<1x!tpu.dma_semaphore, #tpu.memory_space<semaphore_mem>> -> memref<!tpu.dma_semaphore, #tpu.memory_space<semaphore_mem>>
      tpu.wait_indirect_dma semaphore(%dma_wait3A_276 : memref<!tpu.dma_semaphore, #tpu.memory_space<semaphore_mem>>) src(%dma_wait3A_274 : memref<10112x72xf32, #tpu.memory_space<hbm>>) dst(%arg13 : memref<128x72xf32, #tpu.memory_space<vmem>>)
      %mul3A_277 = arith.constant 3 : i32
      %mul3A_278 = arith.muli %mul3A_277, %scan3A_159 : i32
      %add3A_279 = arith.constant 2 : i32
      %add3A_280 = arith.addi %mul3A_278, %add3A_279 : i32
      %dma_start3A_281 = arith.constant 4 : i32
      %dma_start3A_282 = arith.constant 0 : i32
      %dma_start3A_283 = tpu.memref_slice %arg7[%add3A_280, %dma_start3A_282] : memref<79x128xi32, #tpu.memory_space<vmem>> -> memref<1x128xi32, #tpu.memory_space<vmem>>
      %dma_start3A_284 = tpu.memref_squeeze %dma_start3A_283 : memref<1x128xi32, #tpu.memory_space<vmem>> -> memref<128xi32, #tpu.memory_space<vmem>>
      %dma_start3A_285 = arith.constant 0 : i32
      %dma_start3A_286 = arith.constant 0 : i32
      %dma_start3A_287 = tpu.memref_slice %arg6[%dma_start3A_285, %dma_start3A_286] : memref<10112x72xf32, #tpu.memory_space<vmem_shared>> -> memref<10112x72xf32, #tpu.memory_space<vmem_shared>>
      %dma_start3A_288 = tpu.memref_slice %arg17[%dma_start3A_281] : memref<6x!tpu.dma_semaphore, #tpu.memory_space<semaphore_mem>> -> memref<1x!tpu.dma_semaphore, #tpu.memory_space<semaphore_mem>>
      %dma_start3A_289 = tpu.memref_squeeze %dma_start3A_288 : memref<1x!tpu.dma_semaphore, #tpu.memory_space<semaphore_mem>> -> memref<!tpu.dma_semaphore, #tpu.memory_space<semaphore_mem>>
      tpu.enqueue_indirect_dma source(%arg13 : memref<128x72xf32, #tpu.memory_space<vmem>>) target(%dma_start3A_287 : memref<10112x72xf32, #tpu.memory_space<vmem_shared>>) offsets(%dma_start3A_284 : memref<128xi32, #tpu.memory_space<vmem>>) semaphore(%dma_start3A_289 : memref<!tpu.dma_semaphore, #tpu.memory_space<semaphore_mem>>) {add = true}
      %mul3A_290 = arith.constant 3 : i32
      %mul3A_291 = arith.muli %mul3A_290, %scan3A_159 : i32
      %add3A_292 = arith.constant 2 : i32
      %add3A_293 = arith.addi %mul3A_291, %add3A_292 : i32
      %dma_wait3A_294 = arith.constant 5 : i32
      %dma_wait3A_295 = arith.constant 0 : i32
      %dma_wait3A_296 = tpu.memref_slice %arg7[%add3A_293, %dma_wait3A_295] : memref<79x128xi32, #tpu.memory_space<vmem>> -> memref<1x128xi32, #tpu.memory_space<vmem>>
      %dma_wait3A_297 = tpu.memref_squeeze %dma_wait3A_296 : memref<1x128xi32, #tpu.memory_space<vmem>> -> memref<128xi32, #tpu.memory_space<vmem>>
      %dma_wait3A_298 = arith.constant 0 : i32
      %dma_wait3A_299 = arith.constant 0 : i32
      %dma_wait3A_300 = tpu.memref_slice %arg2[%dma_wait3A_298, %dma_wait3A_299] : memref<10112x72xf32, #tpu.memory_space<hbm>> -> memref<10112x72xf32, #tpu.memory_space<hbm>>
      %dma_wait3A_301 = tpu.memref_slice %arg16[%dma_wait3A_294] : memref<6x!tpu.dma_semaphore, #tpu.memory_space<semaphore_mem>> -> memref<1x!tpu.dma_semaphore, #tpu.memory_space<semaphore_mem>>
      %dma_wait3A_302 = tpu.memref_squeeze %dma_wait3A_301 : memref<1x!tpu.dma_semaphore, #tpu.memory_space<semaphore_mem>> -> memref<!tpu.dma_semaphore, #tpu.memory_space<semaphore_mem>>
      tpu.wait_indirect_dma semaphore(%dma_wait3A_302 : memref<!tpu.dma_semaphore, #tpu.memory_space<semaphore_mem>>) src(%dma_wait3A_300 : memref<10112x72xf32, #tpu.memory_space<hbm>>) dst(%arg14 : memref<128x72xf32, #tpu.memory_space<vmem>>)
      %mul3A_303 = arith.constant 3 : i32
      %mul3A_304 = arith.muli %mul3A_303, %scan3A_159 : i32
      %add3A_305 = arith.constant 2 : i32
      %add3A_306 = arith.addi %mul3A_304, %add3A_305 : i32
      %dma_start3A_307 = arith.constant 5 : i32
      %dma_start3A_308 = arith.constant 0 : i32
      %dma_start3A_309 = tpu.memref_slice %arg8[%add3A_306, %dma_start3A_308] : memref<79x128xi32, #tpu.memory_space<vmem>> -> memref<1x128xi32, #tpu.memory_space<vmem>>
      %dma_start3A_310 = tpu.memref_squeeze %dma_start3A_309 : memref<1x128xi32, #tpu.memory_space<vmem>> -> memref<128xi32, #tpu.memory_space<vmem>>
      %dma_start3A_311 = arith.constant 0 : i32
      %dma_start3A_312 = arith.constant 0 : i32
      %dma_start3A_313 = tpu.memref_slice %arg6[%dma_start3A_311, %dma_start3A_312] : memref<10112x72xf32, #tpu.memory_space<vmem_shared>> -> memref<10112x72xf32, #tpu.memory_space<vmem_shared>>
      %dma_start3A_314 = tpu.memref_slice %arg17[%dma_start3A_307] : memref<6x!tpu.dma_semaphore, #tpu.memory_space<semaphore_mem>> -> memref<1x!tpu.dma_semaphore, #tpu.memory_space<semaphore_mem>>
      %dma_start3A_315 = tpu.memref_squeeze %dma_start3A_314 : memref<1x!tpu.dma_semaphore, #tpu.memory_space<semaphore_mem>> -> memref<!tpu.dma_semaphore, #tpu.memory_space<semaphore_mem>>
      tpu.enqueue_indirect_dma source(%arg14 : memref<128x72xf32, #tpu.memory_space<vmem>>) target(%dma_start3A_313 : memref<10112x72xf32, #tpu.memory_space<vmem_shared>>) offsets(%dma_start3A_310 : memref<128xi32, #tpu.memory_space<vmem>>) semaphore(%dma_start3A_315 : memref<!tpu.dma_semaphore, #tpu.memory_space<semaphore_mem>>) {add = true}
      %mul3A_316 = arith.constant 3 : i32
      %mul3A_317 = arith.muli %mul3A_316, %scan3A_159 : i32
      %add3A_318 = arith.constant 0 : i32
      %add3A_319 = arith.addi %mul3A_317, %add3A_318 : i32
      %dma_wait3A_320 = arith.constant 0 : i32
      %dma_wait3A_321 = arith.constant 0 : i32
      %dma_wait3A_322 = tpu.memref_slice %arg7[%add3A_319, %dma_wait3A_321] : memref<79x128xi32, #tpu.memory_space<vmem>> -> memref<1x128xi32, #tpu.memory_space<vmem>>
      %dma_wait3A_323 = tpu.memref_squeeze %dma_wait3A_322 : memref<1x128xi32, #tpu.memory_space<vmem>> -> memref<128xi32, #tpu.memory_space<vmem>>
      %dma_wait3A_324 = arith.constant 0 : i32
      %dma_wait3A_325 = arith.constant 0 : i32
      %dma_wait3A_326 = tpu.memref_slice %arg6[%dma_wait3A_324, %dma_wait3A_325] : memref<10112x72xf32, #tpu.memory_space<vmem_shared>> -> memref<10112x72xf32, #tpu.memory_space<vmem_shared>>
      %dma_wait3A_327 = tpu.memref_slice %arg17[%dma_wait3A_320] : memref<6x!tpu.dma_semaphore, #tpu.memory_space<semaphore_mem>> -> memref<1x!tpu.dma_semaphore, #tpu.memory_space<semaphore_mem>>
      %dma_wait3A_328 = tpu.memref_squeeze %dma_wait3A_327 : memref<1x!tpu.dma_semaphore, #tpu.memory_space<semaphore_mem>> -> memref<!tpu.dma_semaphore, #tpu.memory_space<semaphore_mem>>
      tpu.wait_indirect_dma semaphore(%dma_wait3A_328 : memref<!tpu.dma_semaphore, #tpu.memory_space<semaphore_mem>>) src(%arg9 : memref<128x72xf32, #tpu.memory_space<vmem>>) dst(%dma_wait3A_326 : memref<10112x72xf32, #tpu.memory_space<vmem_shared>>)
      %mul3A_329 = arith.constant 3 : i32
      %mul3A_330 = arith.muli %mul3A_329, %scan3A_159 : i32
      %add3A_331 = arith.constant 0 : i32
      %add3A_332 = arith.addi %mul3A_330, %add3A_331 : i32
      %dma_wait3A_333 = arith.constant 1 : i32
      %dma_wait3A_334 = arith.constant 0 : i32
      %dma_wait3A_335 = tpu.memref_slice %arg8[%add3A_332, %dma_wait3A_334] : memref<79x128xi32, #tpu.memory_space<vmem>> -> memref<1x128xi32, #tpu.memory_space<vmem>>
      %dma_wait3A_336 = tpu.memref_squeeze %dma_wait3A_335 : memref<1x128xi32, #tpu.memory_space<vmem>> -> memref<128xi32, #tpu.memory_space<vmem>>
      %dma_wait3A_337 = arith.constant 0 : i32
      %dma_wait3A_338 = arith.constant 0 : i32
      %dma_wait3A_339 = tpu.memref_slice %arg6[%dma_wait3A_337, %dma_wait3A_338] : memref<10112x72xf32, #tpu.memory_space<vmem_shared>> -> memref<10112x72xf32, #tpu.memory_space<vmem_shared>>
      %dma_wait3A_340 = tpu.memref_slice %arg17[%dma_wait3A_333] : memref<6x!tpu.dma_semaphore, #tpu.memory_space<semaphore_mem>> -> memref<1x!tpu.dma_semaphore, #tpu.memory_space<semaphore_mem>>
      %dma_wait3A_341 = tpu.memref_squeeze %dma_wait3A_340 : memref<1x!tpu.dma_semaphore, #tpu.memory_space<semaphore_mem>> -> memref<!tpu.dma_semaphore, #tpu.memory_space<semaphore_mem>>
      tpu.wait_indirect_dma semaphore(%dma_wait3A_341 : memref<!tpu.dma_semaphore, #tpu.memory_space<semaphore_mem>>) src(%arg10 : memref<128x72xf32, #tpu.memory_space<vmem>>) dst(%dma_wait3A_339 : memref<10112x72xf32, #tpu.memory_space<vmem_shared>>)
      %mul3A_342 = arith.constant 3 : i32
      %mul3A_343 = arith.muli %mul3A_342, %scan3A_159 : i32
      %add3A_344 = arith.constant 1 : i32
      %add3A_345 = arith.addi %mul3A_343, %add3A_344 : i32
      %dma_wait3A_346 = arith.constant 2 : i32
      %dma_wait3A_347 = arith.constant 0 : i32
      %dma_wait3A_348 = tpu.memref_slice %arg7[%add3A_345, %dma_wait3A_347] : memref<79x128xi32, #tpu.memory_space<vmem>> -> memref<1x128xi32, #tpu.memory_space<vmem>>
      %dma_wait3A_349 = tpu.memref_squeeze %dma_wait3A_348 : memref<1x128xi32, #tpu.memory_space<vmem>> -> memref<128xi32, #tpu.memory_space<vmem>>
      %dma_wait3A_350 = arith.constant 0 : i32
      %dma_wait3A_351 = arith.constant 0 : i32
      %dma_wait3A_352 = tpu.memref_slice %arg6[%dma_wait3A_350, %dma_wait3A_351] : memref<10112x72xf32, #tpu.memory_space<vmem_shared>> -> memref<10112x72xf32, #tpu.memory_space<vmem_shared>>
      %dma_wait3A_353 = tpu.memref_slice %arg17[%dma_wait3A_346] : memref<6x!tpu.dma_semaphore, #tpu.memory_space<semaphore_mem>> -> memref<1x!tpu.dma_semaphore, #tpu.memory_space<semaphore_mem>>
      %dma_wait3A_354 = tpu.memref_squeeze %dma_wait3A_353 : memref<1x!tpu.dma_semaphore, #tpu.memory_space<semaphore_mem>> -> memref<!tpu.dma_semaphore, #tpu.memory_space<semaphore_mem>>
      tpu.wait_indirect_dma semaphore(%dma_wait3A_354 : memref<!tpu.dma_semaphore, #tpu.memory_space<semaphore_mem>>) src(%arg11 : memref<128x72xf32, #tpu.memory_space<vmem>>) dst(%dma_wait3A_352 : memref<10112x72xf32, #tpu.memory_space<vmem_shared>>)
      %mul3A_355 = arith.constant 3 : i32
      %mul3A_356 = arith.muli %mul3A_355, %scan3A_159 : i32
      %add3A_357 = arith.constant 1 : i32
      %add3A_358 = arith.addi %mul3A_356, %add3A_357 : i32
      %dma_wait3A_359 = arith.constant 3 : i32
      %dma_wait3A_360 = arith.constant 0 : i32
      %dma_wait3A_361 = tpu.memref_slice %arg8[%add3A_358, %dma_wait3A_360] : memref<79x128xi32, #tpu.memory_space<vmem>> -> memref<1x128xi32, #tpu.memory_space<vmem>>
      %dma_wait3A_362 = tpu.memref_squeeze %dma_wait3A_361 : memref<1x128xi32, #tpu.memory_space<vmem>> -> memref<128xi32, #tpu.memory_space<vmem>>
      %dma_wait3A_363 = arith.constant 0 : i32
      %dma_wait3A_364 = arith.constant 0 : i32
      %dma_wait3A_365 = tpu.memref_slice %arg6[%dma_wait3A_363, %dma_wait3A_364] : memref<10112x72xf32, #tpu.memory_space<vmem_shared>> -> memref<10112x72xf32, #tpu.memory_space<vmem_shared>>
      %dma_wait3A_366 = tpu.memref_slice %arg17[%dma_wait3A_359] : memref<6x!tpu.dma_semaphore, #tpu.memory_space<semaphore_mem>> -> memref<1x!tpu.dma_semaphore, #tpu.memory_space<semaphore_mem>>
      %dma_wait3A_367 = tpu.memref_squeeze %dma_wait3A_366 : memref<1x!tpu.dma_semaphore, #tpu.memory_space<semaphore_mem>> -> memref<!tpu.dma_semaphore, #tpu.memory_space<semaphore_mem>>
      tpu.wait_indirect_dma semaphore(%dma_wait3A_367 : memref<!tpu.dma_semaphore, #tpu.memory_space<semaphore_mem>>) src(%arg12 : memref<128x72xf32, #tpu.memory_space<vmem>>) dst(%dma_wait3A_365 : memref<10112x72xf32, #tpu.memory_space<vmem_shared>>)
      %mul3A_368 = arith.constant 3 : i32
      %mul3A_369 = arith.muli %mul3A_368, %scan3A_159 : i32
      %add3A_370 = arith.constant 2 : i32
      %add3A_371 = arith.addi %mul3A_369, %add3A_370 : i32
      %dma_wait3A_372 = arith.constant 4 : i32
      %dma_wait3A_373 = arith.constant 0 : i32
      %dma_wait3A_374 = tpu.memref_slice %arg7[%add3A_371, %dma_wait3A_373] : memref<79x128xi32, #tpu.memory_space<vmem>> -> memref<1x128xi32, #tpu.memory_space<vmem>>
      %dma_wait3A_375 = tpu.memref_squeeze %dma_wait3A_374 : memref<1x128xi32, #tpu.memory_space<vmem>> -> memref<128xi32, #tpu.memory_space<vmem>>
      %dma_wait3A_376 = arith.constant 0 : i32
      %dma_wait3A_377 = arith.constant 0 : i32
      %dma_wait3A_378 = tpu.memref_slice %arg6[%dma_wait3A_376, %dma_wait3A_377] : memref<10112x72xf32, #tpu.memory_space<vmem_shared>> -> memref<10112x72xf32, #tpu.memory_space<vmem_shared>>
      %dma_wait3A_379 = tpu.memref_slice %arg17[%dma_wait3A_372] : memref<6x!tpu.dma_semaphore, #tpu.memory_space<semaphore_mem>> -> memref<1x!tpu.dma_semaphore, #tpu.memory_space<semaphore_mem>>
      %dma_wait3A_380 = tpu.memref_squeeze %dma_wait3A_379 : memref<1x!tpu.dma_semaphore, #tpu.memory_space<semaphore_mem>> -> memref<!tpu.dma_semaphore, #tpu.memory_space<semaphore_mem>>
      tpu.wait_indirect_dma semaphore(%dma_wait3A_380 : memref<!tpu.dma_semaphore, #tpu.memory_space<semaphore_mem>>) src(%arg13 : memref<128x72xf32, #tpu.memory_space<vmem>>) dst(%dma_wait3A_378 : memref<10112x72xf32, #tpu.memory_space<vmem_shared>>)
      %mul3A_381 = arith.constant 3 : i32
      %mul3A_382 = arith.muli %mul3A_381, %scan3A_159 : i32
      %add3A_383 = arith.constant 2 : i32
      %add3A_384 = arith.addi %mul3A_382, %add3A_383 : i32
      %dma_wait3A_385 = arith.constant 5 : i32
      %dma_wait3A_386 = arith.constant 0 : i32
      %dma_wait3A_387 = tpu.memref_slice %arg8[%add3A_384, %dma_wait3A_386] : memref<79x128xi32, #tpu.memory_space<vmem>> -> memref<1x128xi32, #tpu.memory_space<vmem>>
      %dma_wait3A_388 = tpu.memref_squeeze %dma_wait3A_387 : memref<1x128xi32, #tpu.memory_space<vmem>> -> memref<128xi32, #tpu.memory_space<vmem>>
      %dma_wait3A_389 = arith.constant 0 : i32
      %dma_wait3A_390 = arith.constant 0 : i32
      %dma_wait3A_391 = tpu.memref_slice %arg6[%dma_wait3A_389, %dma_wait3A_390] : memref<10112x72xf32, #tpu.memory_space<vmem_shared>> -> memref<10112x72xf32, #tpu.memory_space<vmem_shared>>
      %dma_wait3A_392 = tpu.memref_slice %arg17[%dma_wait3A_385] : memref<6x!tpu.dma_semaphore, #tpu.memory_space<semaphore_mem>> -> memref<1x!tpu.dma_semaphore, #tpu.memory_space<semaphore_mem>>
      %dma_wait3A_393 = tpu.memref_squeeze %dma_wait3A_392 : memref<1x!tpu.dma_semaphore, #tpu.memory_space<semaphore_mem>> -> memref<!tpu.dma_semaphore, #tpu.memory_space<semaphore_mem>>
      tpu.wait_indirect_dma semaphore(%dma_wait3A_393 : memref<!tpu.dma_semaphore, #tpu.memory_space<semaphore_mem>>) src(%arg14 : memref<128x72xf32, #tpu.memory_space<vmem>>) dst(%dma_wait3A_391 : memref<10112x72xf32, #tpu.memory_space<vmem_shared>>)
      %lt3A_394 = arith.constant 25 : i32
      %lt3A_395 = arith.cmpi slt, %scan3A_159, %lt3A_394 : i32
      %convert_element_type3A_396 = arith.extui %lt3A_395 : i1 to i32
      %cond3A_397 = arith.constant 0 : i32
      %cond3A_398 = arith.cmpi ne, %convert_element_type3A_396, %cond3A_397 : i32
      scf.if %cond3A_398 {
        %add3A_399 = arith.constant 1 : i32
        %add3A_400 = arith.addi %scan3A_159, %add3A_399 : i32
        %mul3A_401 = arith.constant 3 : i32
        %mul3A_402 = arith.muli %mul3A_401, %add3A_400 : i32
        %add3A_403 = arith.constant 0 : i32
        %add3A_404 = arith.addi %mul3A_402, %add3A_403 : i32
        %dma_start3A_405 = arith.constant 0 : i32
        %dma_start3A_406 = arith.constant 0 : i32
        %dma_start3A_407 = tpu.memref_slice %arg8[%add3A_404, %dma_start3A_406] : memref<79x128xi32, #tpu.memory_space<vmem>> -> memref<1x128xi32, #tpu.memory_space<vmem>>
        %dma_start3A_408 = tpu.memref_squeeze %dma_start3A_407 : memref<1x128xi32, #tpu.memory_space<vmem>> -> memref<128xi32, #tpu.memory_space<vmem>>
        %dma_start3A_409 = arith.constant 0 : i32
        %dma_start3A_410 = arith.constant 0 : i32
        %dma_start3A_411 = tpu.memref_slice %arg2[%dma_start3A_409, %dma_start3A_410] : memref<10112x72xf32, #tpu.memory_space<hbm>> -> memref<10112x72xf32, #tpu.memory_space<hbm>>
        %dma_start3A_412 = tpu.memref_slice %arg16[%dma_start3A_405] : memref<6x!tpu.dma_semaphore, #tpu.memory_space<semaphore_mem>> -> memref<1x!tpu.dma_semaphore, #tpu.memory_space<semaphore_mem>>
        %dma_start3A_413 = tpu.memref_squeeze %dma_start3A_412 : memref<1x!tpu.dma_semaphore, #tpu.memory_space<semaphore_mem>> -> memref<!tpu.dma_semaphore, #tpu.memory_space<semaphore_mem>>
        tpu.enqueue_indirect_dma source(%dma_start3A_411 : memref<10112x72xf32, #tpu.memory_space<hbm>>) target(%arg9 : memref<128x72xf32, #tpu.memory_space<vmem>>) offsets(%dma_start3A_408 : memref<128xi32, #tpu.memory_space<vmem>>) semaphore(%dma_start3A_413 : memref<!tpu.dma_semaphore, #tpu.memory_space<semaphore_mem>>)
        %add3A_414 = arith.constant 1 : i32
        %add3A_415 = arith.addi %scan3A_159, %add3A_414 : i32
        %mul3A_416 = arith.constant 3 : i32
        %mul3A_417 = arith.muli %mul3A_416, %add3A_415 : i32
        %add3A_418 = arith.constant 0 : i32
        %add3A_419 = arith.addi %mul3A_417, %add3A_418 : i32
        %dma_start3A_420 = arith.constant 1 : i32
        %dma_start3A_421 = arith.constant 0 : i32
        %dma_start3A_422 = tpu.memref_slice %arg7[%add3A_419, %dma_start3A_421] : memref<79x128xi32, #tpu.memory_space<vmem>> -> memref<1x128xi32, #tpu.memory_space<vmem>>
        %dma_start3A_423 = tpu.memref_squeeze %dma_start3A_422 : memref<1x128xi32, #tpu.memory_space<vmem>> -> memref<128xi32, #tpu.memory_space<vmem>>
        %dma_start3A_424 = arith.constant 0 : i32
        %dma_start3A_425 = arith.constant 0 : i32
        %dma_start3A_426 = tpu.memref_slice %arg2[%dma_start3A_424, %dma_start3A_425] : memref<10112x72xf32, #tpu.memory_space<hbm>> -> memref<10112x72xf32, #tpu.memory_space<hbm>>
        %dma_start3A_427 = tpu.memref_slice %arg16[%dma_start3A_420] : memref<6x!tpu.dma_semaphore, #tpu.memory_space<semaphore_mem>> -> memref<1x!tpu.dma_semaphore, #tpu.memory_space<semaphore_mem>>
        %dma_start3A_428 = tpu.memref_squeeze %dma_start3A_427 : memref<1x!tpu.dma_semaphore, #tpu.memory_space<semaphore_mem>> -> memref<!tpu.dma_semaphore, #tpu.memory_space<semaphore_mem>>
        tpu.enqueue_indirect_dma source(%dma_start3A_426 : memref<10112x72xf32, #tpu.memory_space<hbm>>) target(%arg10 : memref<128x72xf32, #tpu.memory_space<vmem>>) offsets(%dma_start3A_423 : memref<128xi32, #tpu.memory_space<vmem>>) semaphore(%dma_start3A_428 : memref<!tpu.dma_semaphore, #tpu.memory_space<semaphore_mem>>)
        %add3A_429 = arith.constant 1 : i32
        %add3A_430 = arith.addi %scan3A_159, %add3A_429 : i32
        %mul3A_431 = arith.constant 3 : i32
        %mul3A_432 = arith.muli %mul3A_431, %add3A_430 : i32
        %add3A_433 = arith.constant 1 : i32
        %add3A_434 = arith.addi %mul3A_432, %add3A_433 : i32
        %dma_start3A_435 = arith.constant 2 : i32
        %dma_start3A_436 = arith.constant 0 : i32
        %dma_start3A_437 = tpu.memref_slice %arg8[%add3A_434, %dma_start3A_436] : memref<79x128xi32, #tpu.memory_space<vmem>> -> memref<1x128xi32, #tpu.memory_space<vmem>>
        %dma_start3A_438 = tpu.memref_squeeze %dma_start3A_437 : memref<1x128xi32, #tpu.memory_space<vmem>> -> memref<128xi32, #tpu.memory_space<vmem>>
        %dma_start3A_439 = arith.constant 0 : i32
        %dma_start3A_440 = arith.constant 0 : i32
        %dma_start3A_441 = tpu.memref_slice %arg2[%dma_start3A_439, %dma_start3A_440] : memref<10112x72xf32, #tpu.memory_space<hbm>> -> memref<10112x72xf32, #tpu.memory_space<hbm>>
        %dma_start3A_442 = tpu.memref_slice %arg16[%dma_start3A_435] : memref<6x!tpu.dma_semaphore, #tpu.memory_space<semaphore_mem>> -> memref<1x!tpu.dma_semaphore, #tpu.memory_space<semaphore_mem>>
        %dma_start3A_443 = tpu.memref_squeeze %dma_start3A_442 : memref<1x!tpu.dma_semaphore, #tpu.memory_space<semaphore_mem>> -> memref<!tpu.dma_semaphore, #tpu.memory_space<semaphore_mem>>
        tpu.enqueue_indirect_dma source(%dma_start3A_441 : memref<10112x72xf32, #tpu.memory_space<hbm>>) target(%arg11 : memref<128x72xf32, #tpu.memory_space<vmem>>) offsets(%dma_start3A_438 : memref<128xi32, #tpu.memory_space<vmem>>) semaphore(%dma_start3A_443 : memref<!tpu.dma_semaphore, #tpu.memory_space<semaphore_mem>>)
        %add3A_444 = arith.constant 1 : i32
        %add3A_445 = arith.addi %scan3A_159, %add3A_444 : i32
        %mul3A_446 = arith.constant 3 : i32
        %mul3A_447 = arith.muli %mul3A_446, %add3A_445 : i32
        %add3A_448 = arith.constant 1 : i32
        %add3A_449 = arith.addi %mul3A_447, %add3A_448 : i32
        %dma_start3A_450 = arith.constant 3 : i32
        %dma_start3A_451 = arith.constant 0 : i32
        %dma_start3A_452 = tpu.memref_slice %arg7[%add3A_449, %dma_start3A_451] : memref<79x128xi32, #tpu.memory_space<vmem>> -> memref<1x128xi32, #tpu.memory_space<vmem>>
        %dma_start3A_453 = tpu.memref_squeeze %dma_start3A_452 : memref<1x128xi32, #tpu.memory_space<vmem>> -> memref<128xi32, #tpu.memory_space<vmem>>
        %dma_start3A_454 = arith.constant 0 : i32
        %dma_start3A_455 = arith.constant 0 : i32
        %dma_start3A_456 = tpu.memref_slice %arg2[%dma_start3A_454, %dma_start3A_455] : memref<10112x72xf32, #tpu.memory_space<hbm>> -> memref<10112x72xf32, #tpu.memory_space<hbm>>
        %dma_start3A_457 = tpu.memref_slice %arg16[%dma_start3A_450] : memref<6x!tpu.dma_semaphore, #tpu.memory_space<semaphore_mem>> -> memref<1x!tpu.dma_semaphore, #tpu.memory_space<semaphore_mem>>
        %dma_start3A_458 = tpu.memref_squeeze %dma_start3A_457 : memref<1x!tpu.dma_semaphore, #tpu.memory_space<semaphore_mem>> -> memref<!tpu.dma_semaphore, #tpu.memory_space<semaphore_mem>>
        tpu.enqueue_indirect_dma source(%dma_start3A_456 : memref<10112x72xf32, #tpu.memory_space<hbm>>) target(%arg12 : memref<128x72xf32, #tpu.memory_space<vmem>>) offsets(%dma_start3A_453 : memref<128xi32, #tpu.memory_space<vmem>>) semaphore(%dma_start3A_458 : memref<!tpu.dma_semaphore, #tpu.memory_space<semaphore_mem>>)
        %add3A_459 = arith.constant 1 : i32
        %add3A_460 = arith.addi %scan3A_159, %add3A_459 : i32
        %mul3A_461 = arith.constant 3 : i32
        %mul3A_462 = arith.muli %mul3A_461, %add3A_460 : i32
        %add3A_463 = arith.constant 2 : i32
        %add3A_464 = arith.addi %mul3A_462, %add3A_463 : i32
        %dma_start3A_465 = arith.constant 4 : i32
        %dma_start3A_466 = arith.constant 0 : i32
        %dma_start3A_467 = tpu.memref_slice %arg8[%add3A_464, %dma_start3A_466] : memref<79x128xi32, #tpu.memory_space<vmem>> -> memref<1x128xi32, #tpu.memory_space<vmem>>
        %dma_start3A_468 = tpu.memref_squeeze %dma_start3A_467 : memref<1x128xi32, #tpu.memory_space<vmem>> -> memref<128xi32, #tpu.memory_space<vmem>>
        %dma_start3A_469 = arith.constant 0 : i32
        %dma_start3A_470 = arith.constant 0 : i32
        %dma_start3A_471 = tpu.memref_slice %arg2[%dma_start3A_469, %dma_start3A_470] : memref<10112x72xf32, #tpu.memory_space<hbm>> -> memref<10112x72xf32, #tpu.memory_space<hbm>>
        %dma_start3A_472 = tpu.memref_slice %arg16[%dma_start3A_465] : memref<6x!tpu.dma_semaphore, #tpu.memory_space<semaphore_mem>> -> memref<1x!tpu.dma_semaphore, #tpu.memory_space<semaphore_mem>>
        %dma_start3A_473 = tpu.memref_squeeze %dma_start3A_472 : memref<1x!tpu.dma_semaphore, #tpu.memory_space<semaphore_mem>> -> memref<!tpu.dma_semaphore, #tpu.memory_space<semaphore_mem>>
        tpu.enqueue_indirect_dma source(%dma_start3A_471 : memref<10112x72xf32, #tpu.memory_space<hbm>>) target(%arg13 : memref<128x72xf32, #tpu.memory_space<vmem>>) offsets(%dma_start3A_468 : memref<128xi32, #tpu.memory_space<vmem>>) semaphore(%dma_start3A_473 : memref<!tpu.dma_semaphore, #tpu.memory_space<semaphore_mem>>)
        %add3A_474 = arith.constant 1 : i32
        %add3A_475 = arith.addi %scan3A_159, %add3A_474 : i32
        %mul3A_476 = arith.constant 3 : i32
        %mul3A_477 = arith.muli %mul3A_476, %add3A_475 : i32
        %add3A_478 = arith.constant 2 : i32
        %add3A_479 = arith.addi %mul3A_477, %add3A_478 : i32
        %dma_start3A_480 = arith.constant 5 : i32
        %dma_start3A_481 = arith.constant 0 : i32
        %dma_start3A_482 = tpu.memref_slice %arg7[%add3A_479, %dma_start3A_481] : memref<79x128xi32, #tpu.memory_space<vmem>> -> memref<1x128xi32, #tpu.memory_space<vmem>>
        %dma_start3A_483 = tpu.memref_squeeze %dma_start3A_482 : memref<1x128xi32, #tpu.memory_space<vmem>> -> memref<128xi32, #tpu.memory_space<vmem>>
        %dma_start3A_484 = arith.constant 0 : i32
        %dma_start3A_485 = arith.constant 0 : i32
        %dma_start3A_486 = tpu.memref_slice %arg2[%dma_start3A_484, %dma_start3A_485] : memref<10112x72xf32, #tpu.memory_space<hbm>> -> memref<10112x72xf32, #tpu.memory_space<hbm>>
        %dma_start3A_487 = tpu.memref_slice %arg16[%dma_start3A_480] : memref<6x!tpu.dma_semaphore, #tpu.memory_space<semaphore_mem>> -> memref<1x!tpu.dma_semaphore, #tpu.memory_space<semaphore_mem>>
        %dma_start3A_488 = tpu.memref_squeeze %dma_start3A_487 : memref<1x!tpu.dma_semaphore, #tpu.memory_space<semaphore_mem>> -> memref<!tpu.dma_semaphore, #tpu.memory_space<semaphore_mem>>
        tpu.enqueue_indirect_dma source(%dma_start3A_486 : memref<10112x72xf32, #tpu.memory_space<hbm>>) target(%arg14 : memref<128x72xf32, #tpu.memory_space<vmem>>) offsets(%dma_start3A_483 : memref<128xi32, #tpu.memory_space<vmem>>) semaphore(%dma_start3A_488 : memref<!tpu.dma_semaphore, #tpu.memory_space<semaphore_mem>>)
      } else {
      }
    }
    %scan3A_143 = arith.constant 26 : i32
    %lt3A_144 = arith.constant 4 : i32
    %lt3A_145 = arith.cmpi slt, %add3A, %lt3A_144 : i32
    %convert_element_type3A_146 = arith.extui %lt3A_145 : i1 to i32
    %cond3A_147 = arith.constant 0 : i32
    %cond3A_148 = arith.cmpi ne, %convert_element_type3A_146, %cond3A_147 : i32
    scf.if %cond3A_148 {
      %run_scoped3A = arith.constant 78 : i32
      "tpu.region"() ({
        %run_scoped3A_162 = tpu.sem_alloc : memref<!tpu.dma_semaphore, #tpu.memory_space<semaphore_mem>>
        %dma_start3A_163 = arith.constant 0 : i32
        %dma_start3A_164 = tpu.memref_slice %arg8[%run_scoped3A, %dma_start3A_163] : memref<79x128xi32, #tpu.memory_space<vmem>> -> memref<1x128xi32, #tpu.memory_space<vmem>>
        %dma_start3A_165 = tpu.memref_squeeze %dma_start3A_164 : memref<1x128xi32, #tpu.memory_space<vmem>> -> memref<128xi32, #tpu.memory_space<vmem>>
        %dma_start3A_166 = arith.constant 0 : i32
        %dma_start3A_167 = arith.constant 0 : i32
        %dma_start3A_168 = tpu.memref_slice %arg2[%dma_start3A_166, %dma_start3A_167] : memref<10112x72xf32, #tpu.memory_space<hbm>> -> memref<10112x72xf32, #tpu.memory_space<hbm>>
        tpu.enqueue_indirect_dma source(%dma_start3A_168 : memref<10112x72xf32, #tpu.memory_space<hbm>>) target(%arg9 : memref<128x72xf32, #tpu.memory_space<vmem>>) offsets(%dma_start3A_165 : memref<128xi32, #tpu.memory_space<vmem>>) semaphore(%run_scoped3A_162 : memref<!tpu.dma_semaphore, #tpu.memory_space<semaphore_mem>>)
        %dma_wait3A_169 = arith.constant 0 : i32
        %dma_wait3A_170 = tpu.memref_slice %arg8[%run_scoped3A, %dma_wait3A_169] : memref<79x128xi32, #tpu.memory_space<vmem>> -> memref<1x128xi32, #tpu.memory_space<vmem>>
        %dma_wait3A_171 = tpu.memref_squeeze %dma_wait3A_170 : memref<1x128xi32, #tpu.memory_space<vmem>> -> memref<128xi32, #tpu.memory_space<vmem>>
        %dma_wait3A_172 = arith.constant 0 : i32
        %dma_wait3A_173 = arith.constant 0 : i32
        %dma_wait3A_174 = tpu.memref_slice %arg2[%dma_wait3A_172, %dma_wait3A_173] : memref<10112x72xf32, #tpu.memory_space<hbm>> -> memref<10112x72xf32, #tpu.memory_space<hbm>>
        tpu.wait_indirect_dma semaphore(%run_scoped3A_162 : memref<!tpu.dma_semaphore, #tpu.memory_space<semaphore_mem>>) src(%dma_wait3A_174 : memref<10112x72xf32, #tpu.memory_space<hbm>>) dst(%arg9 : memref<128x72xf32, #tpu.memory_space<vmem>>)
        tpu.yield
      }) : () -> ()
      %run_scoped3A_159 = arith.constant 78 : i32
      "tpu.region"() ({
        %run_scoped3A_162 = tpu.sem_alloc : memref<!tpu.dma_semaphore, #tpu.memory_space<semaphore_mem>>
        %dma_start3A_163 = arith.constant 0 : i32
        %dma_start3A_164 = tpu.memref_slice %arg7[%run_scoped3A_159, %dma_start3A_163] : memref<79x128xi32, #tpu.memory_space<vmem>> -> memref<1x128xi32, #tpu.memory_space<vmem>>
        %dma_start3A_165 = tpu.memref_squeeze %dma_start3A_164 : memref<1x128xi32, #tpu.memory_space<vmem>> -> memref<128xi32, #tpu.memory_space<vmem>>
        %dma_start3A_166 = arith.constant 0 : i32
        %dma_start3A_167 = arith.constant 0 : i32
        %dma_start3A_168 = tpu.memref_slice %arg6[%dma_start3A_166, %dma_start3A_167] : memref<10112x72xf32, #tpu.memory_space<vmem_shared>> -> memref<10112x72xf32, #tpu.memory_space<vmem_shared>>
        tpu.enqueue_indirect_dma source(%arg9 : memref<128x72xf32, #tpu.memory_space<vmem>>) target(%dma_start3A_168 : memref<10112x72xf32, #tpu.memory_space<vmem_shared>>) offsets(%dma_start3A_165 : memref<128xi32, #tpu.memory_space<vmem>>) semaphore(%run_scoped3A_162 : memref<!tpu.dma_semaphore, #tpu.memory_space<semaphore_mem>>) {add = true}
        %dma_wait3A_169 = arith.constant 0 : i32
        %dma_wait3A_170 = tpu.memref_slice %arg7[%run_scoped3A_159, %dma_wait3A_169] : memref<79x128xi32, #tpu.memory_space<vmem>> -> memref<1x128xi32, #tpu.memory_space<vmem>>
        %dma_wait3A_171 = tpu.memref_squeeze %dma_wait3A_170 : memref<1x128xi32, #tpu.memory_space<vmem>> -> memref<128xi32, #tpu.memory_space<vmem>>
        %dma_wait3A_172 = arith.constant 0 : i32
        %dma_wait3A_173 = arith.constant 0 : i32
        %dma_wait3A_174 = tpu.memref_slice %arg6[%dma_wait3A_172, %dma_wait3A_173] : memref<10112x72xf32, #tpu.memory_space<vmem_shared>> -> memref<10112x72xf32, #tpu.memory_space<vmem_shared>>
        tpu.wait_indirect_dma semaphore(%run_scoped3A_162 : memref<!tpu.dma_semaphore, #tpu.memory_space<semaphore_mem>>) src(%arg9 : memref<128x72xf32, #tpu.memory_space<vmem>>) dst(%dma_wait3A_174 : memref<10112x72xf32, #tpu.memory_space<vmem_shared>>)
        tpu.yield
      }) : () -> ()
      %run_scoped3A_160 = arith.constant 78 : i32
      "tpu.region"() ({
        %run_scoped3A_162 = tpu.sem_alloc : memref<!tpu.dma_semaphore, #tpu.memory_space<semaphore_mem>>
        %dma_start3A_163 = arith.constant 0 : i32
        %dma_start3A_164 = tpu.memref_slice %arg7[%run_scoped3A_160, %dma_start3A_163] : memref<79x128xi32, #tpu.memory_space<vmem>> -> memref<1x128xi32, #tpu.memory_space<vmem>>
        %dma_start3A_165 = tpu.memref_squeeze %dma_start3A_164 : memref<1x128xi32, #tpu.memory_space<vmem>> -> memref<128xi32, #tpu.memory_space<vmem>>
        %dma_start3A_166 = arith.constant 0 : i32
        %dma_start3A_167 = arith.constant 0 : i32
        %dma_start3A_168 = tpu.memref_slice %arg2[%dma_start3A_166, %dma_start3A_167] : memref<10112x72xf32, #tpu.memory_space<hbm>> -> memref<10112x72xf32, #tpu.memory_space<hbm>>
        tpu.enqueue_indirect_dma source(%dma_start3A_168 : memref<10112x72xf32, #tpu.memory_space<hbm>>) target(%arg10 : memref<128x72xf32, #tpu.memory_space<vmem>>) offsets(%dma_start3A_165 : memref<128xi32, #tpu.memory_space<vmem>>) semaphore(%run_scoped3A_162 : memref<!tpu.dma_semaphore, #tpu.memory_space<semaphore_mem>>)
        %dma_wait3A_169 = arith.constant 0 : i32
        %dma_wait3A_170 = tpu.memref_slice %arg7[%run_scoped3A_160, %dma_wait3A_169] : memref<79x128xi32, #tpu.memory_space<vmem>> -> memref<1x128xi32, #tpu.memory_space<vmem>>
        %dma_wait3A_171 = tpu.memref_squeeze %dma_wait3A_170 : memref<1x128xi32, #tpu.memory_space<vmem>> -> memref<128xi32, #tpu.memory_space<vmem>>
        %dma_wait3A_172 = arith.constant 0 : i32
        %dma_wait3A_173 = arith.constant 0 : i32
        %dma_wait3A_174 = tpu.memref_slice %arg2[%dma_wait3A_172, %dma_wait3A_173] : memref<10112x72xf32, #tpu.memory_space<hbm>> -> memref<10112x72xf32, #tpu.memory_space<hbm>>
        tpu.wait_indirect_dma semaphore(%run_scoped3A_162 : memref<!tpu.dma_semaphore, #tpu.memory_space<semaphore_mem>>) src(%dma_wait3A_174 : memref<10112x72xf32, #tpu.memory_space<hbm>>) dst(%arg10 : memref<128x72xf32, #tpu.memory_space<vmem>>)
        tpu.yield
      }) : () -> ()
      %run_scoped3A_161 = arith.constant 78 : i32
      "tpu.region"() ({
        %run_scoped3A_162 = tpu.sem_alloc : memref<!tpu.dma_semaphore, #tpu.memory_space<semaphore_mem>>
        %dma_start3A_163 = arith.constant 0 : i32
        %dma_start3A_164 = tpu.memref_slice %arg8[%run_scoped3A_161, %dma_start3A_163] : memref<79x128xi32, #tpu.memory_space<vmem>> -> memref<1x128xi32, #tpu.memory_space<vmem>>
        %dma_start3A_165 = tpu.memref_squeeze %dma_start3A_164 : memref<1x128xi32, #tpu.memory_space<vmem>> -> memref<128xi32, #tpu.memory_space<vmem>>
        %dma_start3A_166 = arith.constant 0 : i32
        %dma_start3A_167 = arith.constant 0 : i32
        %dma_start3A_168 = tpu.memref_slice %arg6[%dma_start3A_166, %dma_start3A_167] : memref<10112x72xf32, #tpu.memory_space<vmem_shared>> -> memref<10112x72xf32, #tpu.memory_space<vmem_shared>>
        tpu.enqueue_indirect_dma source(%arg10 : memref<128x72xf32, #tpu.memory_space<vmem>>) target(%dma_start3A_168 : memref<10112x72xf32, #tpu.memory_space<vmem_shared>>) offsets(%dma_start3A_165 : memref<128xi32, #tpu.memory_space<vmem>>) semaphore(%run_scoped3A_162 : memref<!tpu.dma_semaphore, #tpu.memory_space<semaphore_mem>>) {add = true}
        %dma_wait3A_169 = arith.constant 0 : i32
        %dma_wait3A_170 = tpu.memref_slice %arg8[%run_scoped3A_161, %dma_wait3A_169] : memref<79x128xi32, #tpu.memory_space<vmem>> -> memref<1x128xi32, #tpu.memory_space<vmem>>
        %dma_wait3A_171 = tpu.memref_squeeze %dma_wait3A_170 : memref<1x128xi32, #tpu.memory_space<vmem>> -> memref<128xi32, #tpu.memory_space<vmem>>
        %dma_wait3A_172 = arith.constant 0 : i32
        %dma_wait3A_173 = arith.constant 0 : i32
        %dma_wait3A_174 = tpu.memref_slice %arg6[%dma_wait3A_172, %dma_wait3A_173] : memref<10112x72xf32, #tpu.memory_space<vmem_shared>> -> memref<10112x72xf32, #tpu.memory_space<vmem_shared>>
        tpu.wait_indirect_dma semaphore(%run_scoped3A_162 : memref<!tpu.dma_semaphore, #tpu.memory_space<semaphore_mem>>) src(%arg10 : memref<128x72xf32, #tpu.memory_space<vmem>>) dst(%dma_wait3A_174 : memref<10112x72xf32, #tpu.memory_space<vmem_shared>>)
        tpu.yield
      }) : () -> ()
    } else {
    }
    %barrier3A_149 = arith.constant 0 : index
    tpu.barrier barrier_id(%barrier3A_149)
    %eq3A = arith.constant 0 : i32
    %eq3A_150 = arith.cmpi eq, %arg0, %eq3A : i32
    %convert_element_type3A_151 = arith.extui %eq3A_150 : i1 to i32
    %cond3A_152 = arith.constant 0 : i32
    %cond3A_153 = arith.cmpi ne, %convert_element_type3A_151, %cond3A_152 : i32
    scf.if %cond3A_153 {
      %mul3A_159 = arith.constant 632 : i32
      %mul3A_160 = arith.muli %arg1, %mul3A_159 : i32
      %mul3A_161 = arith.constant 632 : i32
      %mul3A_162 = arith.muli %arg1, %mul3A_161 : i32
      "tpu.region"() ({
        %run_scoped3A = tpu.sem_alloc : memref<!tpu.dma_semaphore, #tpu.memory_space<semaphore_mem>>
        %dma_start3A_163 = arith.constant 0 : i32
        %dma_start3A_164 = tpu.memref_slice %arg4[%mul3A_162, %dma_start3A_163] : memref<10112x72xf32, #tpu.memory_space<hbm>> -> memref<632x72xf32, #tpu.memory_space<hbm>>
        %dma_start3A_165 = arith.constant 0 : i32
        %dma_start3A_166 = tpu.memref_slice %arg6[%mul3A_160, %dma_start3A_165] : memref<10112x72xf32, #tpu.memory_space<vmem_shared>> -> memref<632x72xf32, #tpu.memory_space<vmem_shared>>
        tpu.enqueue_dma source(%dma_start3A_166 : memref<632x72xf32, #tpu.memory_space<vmem_shared>>) target(%dma_start3A_164 : memref<632x72xf32, #tpu.memory_space<hbm>>) target_semaphore(%run_scoped3A : memref<!tpu.dma_semaphore, #tpu.memory_space<semaphore_mem>>)
        %dma_wait3A_167 = arith.constant 0 : i32
        %dma_wait3A_168 = tpu.memref_slice %arg4[%mul3A_162, %dma_wait3A_167] : memref<10112x72xf32, #tpu.memory_space<hbm>> -> memref<632x72xf32, #tpu.memory_space<hbm>>
        %dma_wait3A_169 = arith.constant 0 : i32
        %dma_wait3A_170 = tpu.memref_slice %arg6[%mul3A_160, %dma_wait3A_169] : memref<10112x72xf32, #tpu.memory_space<vmem_shared>> -> memref<632x72xf32, #tpu.memory_space<vmem_shared>>
        tpu.wait_dma2 semaphore(%run_scoped3A : memref<!tpu.dma_semaphore, #tpu.memory_space<semaphore_mem>>) src(%dma_wait3A_170 : memref<632x72xf32, #tpu.memory_space<vmem_shared>>) dst(%dma_wait3A_168 : memref<632x72xf32, #tpu.memory_space<hbm>>)
        tpu.yield
      }) : () -> ()
    } else {
    }
    %eq3A_154 = arith.constant 1 : i32
    %eq3A_155 = arith.cmpi eq, %arg0, %eq3A_154 : i32
    %convert_element_type3A_156 = arith.extui %eq3A_155 : i1 to i32
    %cond3A_157 = arith.constant 0 : i32
    %cond3A_158 = arith.cmpi ne, %convert_element_type3A_156, %cond3A_157 : i32
    scf.if %cond3A_158 {
      %mul3A_159 = arith.constant 632 : i32
      %mul3A_160 = arith.muli %arg1, %mul3A_159 : i32
      %mul3A_161 = arith.constant 632 : i32
      %mul3A_162 = arith.muli %arg1, %mul3A_161 : i32
      "tpu.region"() ({
        %run_scoped3A = tpu.sem_alloc : memref<!tpu.dma_semaphore, #tpu.memory_space<semaphore_mem>>
        %dma_start3A_163 = arith.constant 0 : i32
        %dma_start3A_164 = tpu.memref_slice %arg5[%mul3A_162, %dma_start3A_163] : memref<10112x72xf32, #tpu.memory_space<hbm>> -> memref<632x72xf32, #tpu.memory_space<hbm>>
        %dma_start3A_165 = arith.constant 0 : i32
        %dma_start3A_166 = tpu.memref_slice %arg6[%mul3A_160, %dma_start3A_165] : memref<10112x72xf32, #tpu.memory_space<vmem_shared>> -> memref<632x72xf32, #tpu.memory_space<vmem_shared>>
        tpu.enqueue_dma source(%dma_start3A_166 : memref<632x72xf32, #tpu.memory_space<vmem_shared>>) target(%dma_start3A_164 : memref<632x72xf32, #tpu.memory_space<hbm>>) target_semaphore(%run_scoped3A : memref<!tpu.dma_semaphore, #tpu.memory_space<semaphore_mem>>)
        %dma_wait3A_167 = arith.constant 0 : i32
        %dma_wait3A_168 = tpu.memref_slice %arg5[%mul3A_162, %dma_wait3A_167] : memref<10112x72xf32, #tpu.memory_space<hbm>> -> memref<632x72xf32, #tpu.memory_space<hbm>>
        %dma_wait3A_169 = arith.constant 0 : i32
        %dma_wait3A_170 = tpu.memref_slice %arg6[%mul3A_160, %dma_wait3A_169] : memref<10112x72xf32, #tpu.memory_space<vmem_shared>> -> memref<632x72xf32, #tpu.memory_space<vmem_shared>>
        tpu.wait_dma2 semaphore(%run_scoped3A : memref<!tpu.dma_semaphore, #tpu.memory_space<semaphore_mem>>) src(%dma_wait3A_170 : memref<632x72xf32, #tpu.memory_space<vmem_shared>>) dst(%dma_wait3A_168 : memref<632x72xf32, #tpu.memory_space<hbm>>)
        tpu.yield
      }) : () -> ()
    } else {
    }
    return
  }
}

module attributes {stable_mosaic.version = 14 : i64} {
  func.func @_tc_tbl_body(%arg0: i32, %arg1: memref<1000x128xf32, #tpu.memory_space<vmem>>, %arg2: memref<1000x72xf32, #tpu.memory_space<vmem>>) attributes {dimension_semantics = [#tpu.dimension_semantics<arbitrary>], iteration_bounds = array<i64: 10>, scalar_prefetch = 0 : i64, scratch_operands = 0 : i64, tpu.core_type = #tpu.core_type<tc>, window_params = [{transform_indices = @transform_0, window_bounds = array<i64: 1000, 128>}, {transform_indices = @transform_1, window_bounds = array<i64: 1000, 72>}]} {
    %get3A = arith.constant 0 : index
    %get3A_0 = arith.constant 64 : index
    %get3A_1 = vector.load %arg1[%get3A, %get3A_0] : memref<1000x128xf32, #tpu.memory_space<vmem>>, vector<1000x64xf32>
    %swap3A = arith.constant 0 : index
    %swap3A_2 = arith.constant 0 : index
    %swap3A_3 = vector.load %arg2[%swap3A, %swap3A_2] : memref<1000x72xf32, #tpu.memory_space<vmem>>, vector<1000x64xf32>
    tpu.vector_store %arg2[%swap3A, %swap3A_2], %get3A_1 {strides = array<i32>} : memref<1000x72xf32, #tpu.memory_space<vmem>>, vector<1000x64xf32>,
    %iota3A = tpu.iota {dimensions = array<i32: 1>} : vector<1000x8xi32>
    %eq3A = arith.constant 0 : i32
    %eq3A_4 = vector.broadcast %eq3A : i32 to vector<1000x8xi32>
    %eq3A_5 = arith.cmpi eq, %iota3A, %eq3A_4 : vector<1000x8xi32>
    %convert_element_type3A = arith.extui %eq3A_5 : vector<1000x8xi1> to vector<1000x8xi32>
    %convert_element_type3A_6 = arith.sitofp %convert_element_type3A : vector<1000x8xi32> to vector<1000x8xf32>
    %swap3A_7 = arith.constant 0 : index
    %swap3A_8 = arith.constant 64 : index
    %swap3A_9 = vector.load %arg2[%swap3A_7, %swap3A_8] : memref<1000x72xf32, #tpu.memory_space<vmem>>, vector<1000x8xf32>
    tpu.vector_store %arg2[%swap3A_7, %swap3A_8], %convert_element_type3A_6 {strides = array<i32>} : memref<1000x72xf32, #tpu.memory_space<vmem>>, vector<1000x8xf32>,
    return
  }
  func.func @transform_0(%arg0: i32) -> (i32, i32) {
    %c0_i32 = arith.constant 0 : i32
    %c0_i32_0 = arith.constant 0 : i32
    return %arg0, %c0_i32 : i32, i32
  }
  func.func @transform_1(%arg0: i32) -> (i32, i32) {
    %c0_i32 = arith.constant 0 : i32
    %c0_i32_0 = arith.constant 0 : i32
    return %arg0, %c0_i32 : i32, i32
  }
}

module attributes {stable_mosaic.version = 14 : i64} {
  func.func @_tc_pre_body(%arg0: i32, %arg1: memref<1000x128xf32, #tpu.memory_space<vmem>>, %arg2: memref<64x128xf32, #tpu.memory_space<vmem>>, %arg3: memref<1x128xf32, #tpu.memory_space<vmem>>, %arg4: memref<1000x128xf32, #tpu.memory_space<vmem>>) attributes {dimension_semantics = [#tpu.dimension_semantics<arbitrary>], iteration_bounds = array<i64: 10>, scalar_prefetch = 0 : i64, scratch_operands = 0 : i64, tpu.core_type = #tpu.core_type<tc>, window_params = [{transform_indices = @transform_0, window_bounds = array<i64: 1000, 128>}, {pipeline_mode = #tpu.pipeline_mode<synchronous>, transform_indices = @transform_1, window_bounds = array<i64: 64, 128>}, {pipeline_mode = #tpu.pipeline_mode<synchronous>, transform_indices = @transform_2, window_bounds = array<i64: 1, 128>}, {transform_indices = @transform_3, window_bounds = array<i64: 1000, 128>}]} {
    %get3A = arith.constant 0 : index
    %get3A_0 = arith.constant 0 : index
    %get3A_1 = vector.load %arg1[%get3A, %get3A_0] : memref<1000x128xf32, #tpu.memory_space<vmem>>, vector<1000x64xf32>
    %get3A_2 = arith.constant 0 : index
    %get3A_3 = arith.constant 0 : index
    %get3A_4 = vector.load %arg2[%get3A_2, %get3A_3] : memref<64x128xf32, #tpu.memory_space<vmem>>, vector<64x128xf32>
    %dot_general3A = arith.constant dense<0.000000e+00> : vector<1000x128xf32>
    %dot_general3A_5 = tpu.matmul %get3A_1, %get3A_4, %dot_general3A {dimension_numbers = #tpu.dot_dimension_numbers<[1], [0], [0], [1], [0, 0, 1, 1], [], []>, precision = #tpu.contract_precision<fp32>, transpose_lhs_hint = false} : vector<1000x64xf32>, vector<64x128xf32>, vector<1000x128xf32> -> vector<1000x128xf32>
    %get3A_6 = arith.constant 0 : index
    %get3A_7 = arith.constant 0 : index
    %get3A_8 = vector.load %arg3[%get3A_6, %get3A_7] : memref<1x128xf32, #tpu.memory_space<vmem>>, vector<1x128xf32>
    %add3A = vector.broadcast %get3A_8 : vector<1x128xf32> to vector<1000x128xf32>
    %add3A_9 = arith.addf %dot_general3A_5, %add3A : vector<1000x128xf32>
    %swap3A = arith.constant 0 : index
    %swap3A_10 = arith.constant 0 : index
    %swap3A_11 = vector.load %arg4[%swap3A, %swap3A_10] : memref<1000x128xf32, #tpu.memory_space<vmem>>, vector<1000x128xf32>
    tpu.vector_store %arg4[%swap3A, %swap3A_10], %add3A_9 {strides = array<i32>} : memref<1000x128xf32, #tpu.memory_space<vmem>>, vector<1000x128xf32>,
    return
  }
  func.func @transform_0(%arg0: i32) -> (i32, i32) {
    %c0_i32 = arith.constant 0 : i32
    %c0_i32_0 = arith.constant 0 : i32
    return %arg0, %c0_i32 : i32, i32
  }
  func.func @transform_1(%arg0: i32) -> (i32, i32) {
    %c0_i32 = arith.constant 0 : i32
    %c0_i32_0 = arith.constant 0 : i32
    %c0_i32_1 = arith.constant 0 : i32
    return %c0_i32, %c0_i32_0 : i32, i32
  }
  func.func @transform_2(%arg0: i32) -> (i32, i32) {
    %c0_i32 = arith.constant 0 : i32
    %c0_i32_0 = arith.constant 0 : i32
    %c0_i32_1 = arith.constant 0 : i32
    return %c0_i32, %c0_i32_0 : i32, i32
  }
  func.func @transform_3(%arg0: i32) -> (i32, i32) {
    %c0_i32 = arith.constant 0 : i32
    %c0_i32_0 = arith.constant 0 : i32
    return %arg0, %c0_i32 : i32, i32
  }
}

module attributes {stable_mosaic.version = 14 : i64} {
  func.func @_tc_mlp_body(%arg0: i32, %arg1: memref<2000x128xf32, #tpu.memory_space<vmem>>, %arg2: memref<2000x72xf32, #tpu.memory_space<vmem>>, %arg3: memref<2000x72xf32, #tpu.memory_space<vmem>>, %arg4: memref<64x128xf32, #tpu.memory_space<vmem>>, %arg5: memref<128x128xf32, #tpu.memory_space<vmem>>, %arg6: memref<1x128xf32, #tpu.memory_space<vmem>>, %arg7: memref<2000x128xf32, #tpu.memory_space<vmem>>) attributes {dimension_semantics = [#tpu.dimension_semantics<arbitrary>], iteration_bounds = array<i64: 5>, scalar_prefetch = 0 : i64, scratch_operands = 0 : i64, tpu.core_type = #tpu.core_type<tc>, window_params = [{transform_indices = @transform_0, window_bounds = array<i64: 2000, 128>}, {transform_indices = @transform_1, window_bounds = array<i64: 2000, 72>}, {transform_indices = @transform_2, window_bounds = array<i64: 2000, 72>}, {pipeline_mode = #tpu.pipeline_mode<synchronous>, transform_indices = @transform_3, window_bounds = array<i64: 64, 128>}, {pipeline_mode = #tpu.pipeline_mode<synchronous>, transform_indices = @transform_4, window_bounds = array<i64: 128, 128>}, {pipeline_mode = #tpu.pipeline_mode<synchronous>, transform_indices = @transform_5, window_bounds = array<i64: 1, 128>}, {transform_indices = @transform_6, window_bounds = array<i64: 2000, 128>}]} {
    %get3A = arith.constant 0 : index
    %get3A_0 = arith.constant 0 : index
    %get3A_1 = vector.load %arg2[%get3A, %get3A_0] : memref<2000x72xf32, #tpu.memory_space<vmem>>, vector<2000x72xf32>
    %get3A_2 = arith.constant 0 : index
    %get3A_3 = arith.constant 0 : index
    %get3A_4 = vector.load %arg3[%get3A_2, %get3A_3] : memref<2000x72xf32, #tpu.memory_space<vmem>>, vector<2000x72xf32>
    %add3A = arith.addf %get3A_1, %get3A_4 : vector<2000x72xf32>
    %slice3A = vector.extract_strided_slice %add3A {offsets = [0, 64], sizes = [2000, 1], strides = [1, 1]} : vector<2000x72xf32> to vector<2000x1xf32>
    %max3A = arith.constant 1.000000e+00 : f32
    %max3A_5 = vector.broadcast %max3A : f32 to vector<2000x1xf32>
    %max3A_6 = arith.maximumf %slice3A, %max3A_5 : vector<2000x1xf32>
    %slice3A_7 = vector.extract_strided_slice %add3A {offsets = [0, 0], sizes = [2000, 64], strides = [1, 1]} : vector<2000x72xf32> to vector<2000x64xf32>
    %div3A = vector.broadcast %max3A_6 : vector<2000x1xf32> to vector<2000x64xf32>
    %div3A_8 = arith.divf %slice3A_7, %div3A : vector<2000x64xf32>
    %get3A_9 = arith.constant 0 : index
    %get3A_10 = arith.constant 0 : index
    %get3A_11 = vector.load %arg1[%get3A_9, %get3A_10] : memref<2000x128xf32, #tpu.memory_space<vmem>>, vector<2000x128xf32>
    %get3A_12 = arith.constant 0 : index
    %get3A_13 = arith.constant 0 : index
    %get3A_14 = vector.load %arg4[%get3A_12, %get3A_13] : memref<64x128xf32, #tpu.memory_space<vmem>>, vector<64x128xf32>
    %dot_general3A = arith.constant dense<0.000000e+00> : vector<2000x128xf32>
    %dot_general3A_15 = tpu.matmul %div3A_8, %get3A_14, %dot_general3A {dimension_numbers = #tpu.dot_dimension_numbers<[1], [0], [0], [1], [0, 0, 1, 1], [], []>, precision = #tpu.contract_precision<fp32>, transpose_lhs_hint = false} : vector<2000x64xf32>, vector<64x128xf32>, vector<2000x128xf32> -> vector<2000x128xf32>
    %add3A_16 = arith.addf %get3A_11, %dot_general3A_15 : vector<2000x128xf32>
    %max3A_17 = arith.constant 0.000000e+00 : f32
    %max3A_18 = vector.broadcast %max3A_17 : f32 to vector<2000x128xf32>
    %max3A_19 = arith.maximumf %add3A_16, %max3A_18 : vector<2000x128xf32>
    %get3A_20 = arith.constant 0 : index
    %get3A_21 = arith.constant 0 : index
    %get3A_22 = vector.load %arg5[%get3A_20, %get3A_21] : memref<128x128xf32, #tpu.memory_space<vmem>>, vector<128x128xf32>
    %dot_general3A_23 = arith.constant dense<0.000000e+00> : vector<2000x128xf32>
    %dot_general3A_24 = tpu.matmul %max3A_19, %get3A_22, %dot_general3A_23 {dimension_numbers = #tpu.dot_dimension_numbers<[1], [0], [0], [1], [0, 0, 1, 1], [], []>, precision = #tpu.contract_precision<fp32>, transpose_lhs_hint = false} : vector<2000x128xf32>, vector<128x128xf32>, vector<2000x128xf32> -> vector<2000x128xf32>
    %get3A_25 = arith.constant 0 : index
    %get3A_26 = arith.constant 0 : index
    %get3A_27 = vector.load %arg6[%get3A_25, %get3A_26] : memref<1x128xf32, #tpu.memory_space<vmem>>, vector<1x128xf32>
    %add3A_28 = vector.broadcast %get3A_27 : vector<1x128xf32> to vector<2000x128xf32>
    %add3A_29 = arith.addf %dot_general3A_24, %add3A_28 : vector<2000x128xf32>
    %swap3A = arith.constant 0 : index
    %swap3A_30 = arith.constant 0 : index
    %swap3A_31 = vector.load %arg7[%swap3A, %swap3A_30] : memref<2000x128xf32, #tpu.memory_space<vmem>>, vector<2000x128xf32>
    tpu.vector_store %arg7[%swap3A, %swap3A_30], %add3A_29 {strides = array<i32>} : memref<2000x128xf32, #tpu.memory_space<vmem>>, vector<2000x128xf32>,
    return
  }
  func.func @transform_0(%arg0: i32) -> (i32, i32) {
    %c0_i32 = arith.constant 0 : i32
    %c0_i32_0 = arith.constant 0 : i32
    return %arg0, %c0_i32 : i32, i32
  }
  func.func @transform_1(%arg0: i32) -> (i32, i32) {
    %c0_i32 = arith.constant 0 : i32
    %c0_i32_0 = arith.constant 0 : i32
    return %arg0, %c0_i32 : i32, i32
  }
  func.func @transform_2(%arg0: i32) -> (i32, i32) {
    %c0_i32 = arith.constant 0 : i32
    %c0_i32_0 = arith.constant 0 : i32
    return %arg0, %c0_i32 : i32, i32
  }
  func.func @transform_3(%arg0: i32) -> (i32, i32) {
    %c0_i32 = arith.constant 0 : i32
    %c0_i32_0 = arith.constant 0 : i32
    %c0_i32_1 = arith.constant 0 : i32
    return %c0_i32, %c0_i32_0 : i32, i32
  }
  func.func @transform_4(%arg0: i32) -> (i32, i32) {
    %c0_i32 = arith.constant 0 : i32
    %c0_i32_0 = arith.constant 0 : i32
    %c0_i32_1 = arith.constant 0 : i32
    return %c0_i32, %c0_i32_0 : i32, i32
  }
  func.func @transform_5(%arg0: i32) -> (i32, i32) {
    %c0_i32 = arith.constant 0 : i32
    %c0_i32_0 = arith.constant 0 : i32
    %c0_i32_1 = arith.constant 0 : i32
    return %c0_i32, %c0_i32_0 : i32, i32
  }
  func.func @transform_6(%arg0: i32) -> (i32, i32) {
    %c0_i32 = arith.constant 0 : i32
    %c0_i32_0 = arith.constant 0 : i32
    return %arg0, %c0_i32 : i32, i32
  }
}

</mosaic_0001>

<sc_bundles>
// kernel: kernel.6.cloned.1.call-start
scs
__scs_entry_jumppad:
0x0: {  	(pc) =	sbr.rel $0x88, $3  }
0x1: {  	(tag) =	ssettag $0x0;
	lr =	simm.s32 $0x1  }
0x2: {  	[smem:$0x3F9B] =	sst lr;
	_ =	strace $0xD0000000  }
0x3: {  	_ = 	snop  }
0x4: {  	_ = 	snop  }
0x5: {  	_ = 	snop  }
0x6: {  	_ = 	snop  }
0x7: {  	_ = 	snop  }
__scs_overlays_trampoline_lowered:
0x8: {  	[smem:$0x3FAA] =	sst s0  }
0x9: {  	[smem:$0x3FAB] =	sst s1  }
0xa: {  	[smem:$0x3FAC] =	sst s2  }
0xb: {  	[smem:$0x3FAD] =	sst s3  }
0xc: {  	[smem:$0x3FAE] =	sst s4  }
0xd: {  	[smem:$0x3FAF] =	sst s5  }
0xe: {  	[smem:$0x3FB0] =	sst s6  }
0xf: {  	[smem:$0x3FB1] =	sst s7  }
0x10: {  	[smem:$0x3FB2] =	sst s8  }
0x11: {  	[smem:$0x3FB3] =	sst s9;
	s0 =	simm.s32 @!p0 $0x0  }
0x12: {  	s1 =	sld [smem:$0x3F99];
	s0 =	simm.s32 @p0 $0x1  }
0x13: {  	[smem:$0x3FB4] =	sst s0;
	s0 =	simm.s32 @!p1 $0x0  }
0x14: {  	s2 =	sld [smem:$0x3F98];
	s0 =	simm.s32 @p1 $0x1  }
0x15: {  	[smem:$0x3FB5] =	sst s0;
	s0 =	simm.s32 @!p2 $0x0  }
0x16: {  	s3 =	sld [smem:$0x3FDB];
	s0 =	simm.s32 @p2 $0x1  }
0x17: {  	s4 =	simm.s32 $0x1BF5;
	[smem:$0x3FB7] =	sst s0  }
0x18: {  	s0 =	sld [smem:$0x3F9A];
	_ =	swait.ge [sflag:s4], $0x0  }
0x19: {  	s7 =	sld [smem:$0x3F9B]  }
0x1a: {  	s8 =	sadd.s32 $0xFFFFE003, lr  }
0x1b: {  	s9 =	sadd.s32 $0xFFFFFEF7, lr;
	s5 =	simm.s32 $0xFFFFFFFF;
	p2 =	slt.u32 s8, $0xFFFFF086  }
0x1c: {  	p1 =	slt.u32 s9, $0xF7A;
	s5 =	simm.s32 @!p2 $0x0  }
0x1d: {  	s5 =	simm.s32 @p1 $0x1;
	p0 =	seq.s32 s7, s2  }
0x1e: {  	s7 =	smul.u32 @!p0 $0xF7A, s2;
	p2 =	seq.s32 @!p0 s5, $0x0  }
0x1f: {  	s9 =	smul.u32 $0xF7A, s1;
	s8 =	simm.s32 @!p0 $0x1BF5;
	p2 =	por !p2, p0  }
0x20: {  	[sflag:s8] =	ssyncset.s32 @!p0 $0xFFFFF086;
	s6 =	sadd.s32 @!p0 s3, s7;
	s7 =	simm.s32 @!p0 $0x108  }
0x21: {  	s3 =	sadd.s32 s3, s9;
	s6 =	sadd.s32 @!p0 $0x88, s6;
	s7 =	simm.s32 @p2 $0x1082  }
0x22: {  	[simem:s7], [sflag:s8] =	dma.local @!p0 [hbm:s6], $0xF7A  }
0x23: {  	s9 =	sor.u32 $0xD0000000, s2;
	s6 =	simm.s32 $0x108;
	_ =	swait.ge @!p0 [sflag:s8], $0x0  }
0x24: {  	s3 =	sadd.s32 $0x88, s3;
	s6 =	simm.s32 @!p1 $0x1082;
	[sflag:s4] =	ssyncset.s32 $0xFFFFF086  }
0x25: {  	[simem:s6], [sflag:s4] =	dma.local [hbm:s3], $0xF7A  }
0x26: {  	[smem:$0x3F9B] =	sst s1;
	(tag) =	ssettag s2;
	_ =	strace s9  }
0x27: {  	s1 =	sld [smem:$0x3FAB]  }
0x28: {  	s2 =	sld [smem:$0x3FAC]  }
0x29: {  	s4 =	sld [smem:$0x3FAE]  }
0x2a: {  	p0 =	seq.s32 s5, $0x0;
	s5 =	sld [smem:$0x3FAF]  }
0x2b: {  	s6 =	sld [smem:$0x3FB0]  }
0x2c: {  	s7 =	sld [smem:$0x3FB1]  }
0x2d: {  	s3 =	simm.s32 $0x108;
	s8 =	sld [smem:$0x3FB2]  }
0x2e: {  	s3 =	simm.s32 @!p0 $0x1082;
	s9 =	sld [smem:$0x3FB3]  }
0x2f: {  	lr =	sadd.s32 s0, s3;
	s0 =	sld [smem:$0x3FAA]  }
0x30: {  	s3 =	sld [smem:$0x3FAD]  }
0x31: {  	[smem:$0x3FB6] =	sst s10  }
0x32: {  	s10 =	sld [smem:$0x3FB4];
	_ =	sdelay $0x3  }
0x33: {  	p0 =	seq.s32 s10, $0x1;
	s10 =	sld [smem:$0x3FB6];
	_ =	sdelay $0x3  }
0x34: {  	[smem:$0x3FB6] =	sst s10  }
0x35: {  	s10 =	sld [smem:$0x3FB5];
	_ =	sdelay $0x3  }
0x36: {  	p1 =	seq.s32 s10, $0x1;
	s10 =	sld [smem:$0x3FB6];
	_ =	sdelay $0x3  }
0x37: {  	[smem:$0x3FB6] =	sst s10  }
0x38: {  	s10 =	sld [smem:$0x3FB7]  }
0x39: {  	_ = 	snop;
	(pc) =	sbr.ind lr, $3  }
0x3a: {  	_ = 	snop  }
0x3b: {  	_ = 	snop  }
0x3c: {  	p2 =	seq.s32 s10, $0x1;
	s10 =	sld [smem:$0x3FB6]  }
0x3d: {  	_ =	shalt  }
0x3e: {  	_ =	shalt  }
0x3f: {  	_ =	shalt  }
0x40: {  	_ =	shalt  }
0x41: {  	_ =	shalt  }
0x42: {  	_ =	shalt  }
0x43: {  	_ =	shalt  }
0x44: {  	_ =	shalt  }
0x45: {  	_ =	shalt  }
0x46: {  	_ =	shalt  }
0x47: {  	_ =	shalt  }
0x48: {  	_ =	shalt  }
0x49: {  	_ =	shalt  }
0x4a: {  	_ =	shalt  }
0x4b: {  	_ =	shalt  }
0x4c: {  	_ =	shalt  }
0x4d: {  	_ =	shalt  }
0x4e: {  	_ =	shalt  }
0x4f: {  	_ =	shalt  }
0x50: {  	_ =	shalt  }
0x51: {  	_ =	shalt  }
0x52: {  	_ =	shalt  }
0x53: {  	_ =	shalt  }
0x54: {  	_ =	shalt  }
0x55: {  	_ =	shalt  }
0x56: {  	_ =	shalt  }
0x57: {  	_ =	shalt  }
0x58: {  	_ =	shalt  }
0x59: {  	_ =	shalt  }
0x5a: {  	_ =	shalt  }
0x5b: {  	_ =	shalt  }
0x5c: {  	_ =	shalt  }
0x5d: {  	_ =	shalt  }
0x5e: {  	_ =	shalt  }
0x5f: {  	_ =	shalt  }
0x60: {  	_ =	shalt  }
0x61: {  	_ =	shalt  }
0x62: {  	_ =	shalt  }
0x63: {  	_ =	shalt  }
0x64: {  	_ =	shalt  }
0x65: {  	_ =	shalt  }
0x66: {  	_ =	shalt  }
0x67: {  	_ =	shalt  }
0x68: {  	_ =	shalt  }
0x69: {  	_ =	shalt  }
0x6a: {  	_ =	shalt  }
0x6b: {  	_ =	shalt  }
0x6c: {  	_ =	shalt  }
0x6d: {  	_ =	shalt  }
0x6e: {  	_ =	shalt  }
0x6f: {  	_ =	shalt  }
0x70: {  	_ =	shalt  }
0x71: {  	_ =	shalt  }
0x72: {  	_ =	shalt  }
0x73: {  	_ =	shalt  }
0x74: {  	_ =	shalt  }
0x75: {  	_ =	shalt  }
0x76: {  	_ =	shalt  }
0x77: {  	_ =	shalt  }
0x78: {  	_ =	shalt  }
0x79: {  	_ =	shalt  }
0x7a: {  	_ =	shalt  }
0x7b: {  	_ =	shalt  }
0x7c: {  	_ =	shalt  }
0x7d: {  	_ =	shalt  }
0x7e: {  	_ =	shalt  }
0x7f: {  	_ =	shalt  }
0x80: {  	_ =	shalt  }
0x81: {  	_ =	shalt  }
0x82: {  	_ =	shalt  }
0x83: {  	_ =	shalt  }
0x84: {  	_ =	shalt  }
0x85: {  	_ =	shalt  }
0x86: {  	_ =	shalt  }
0x87: {  	_ =	shalt  }
.Lfunc_end0:
.L_simem_size_0:
called_computation_lowered:
.L_overlay_start_0:
0x88: {  	s2 =	sld [smem:$0x3FD9]  }
0x89: {  	s3 =	sld [smem:$0x3FFE];
	_ =	sdelay $0x1  }
0x8a: {  	s1 =	srdreg.scid  }
0x8b: {  	s0 =	sand.u32 $0x1, s1  }
0x8c: {  	s17 =	sshll.u32 s0, $0xA;
	s2 =	sadd.s32 s3, s2  }
0x8d: {  	s2 =	sadd.s32 s2, s17  }
0x8e: {  	[smem:$0x3FC2] =	sst s2  }
0x8f: {  	_ = 	snop  }
0x90: {  	s2 =	sld [smem:$0x3FD0];
	(tm) =	ssettm $0x1  }
0x91: {  	s18 =	sld [smem:$0x3FFB];
	_ =	sdelay $0x3  }
0x92: {  	_ =	strace s18  }
0x93: {  	s3 =	sld [smem:$0x3FFC];
	_ =	sdelay $0x3  }
0x94: {  	_ =	strace s3  }
0x95: {  	s3 =	sld [smem:$0x3FFD];
	_ =	sdelay $0x3  }
0x96: {  	_ =	strace s3  }
0x97: {  	_ =	strace $0x8FFFFFFF  }
0x98: {  	s19 =	sld [smem:$0x3FDB];
	_ =	sdelay $0x1  }
0x99: {  	s4 =	simm.s32 $_scs_section_size  }
0x9a: {  	s5 =	simm.s32 $_size__tile_overlayer_lowered;
	s6 =	simm.s32 $_tile_overlayer_lowered  }
0x9b: {  	s22 =	simm.s32 $0x1BFF;
	s21 =	sshll.u32 s6, $0x1;
	s3 =	sadd.s32 s4, s19  }
0x9c: {  	s7 =	simm.s32 $0x0;
	s20 =	sshll.u32 s5, $0x1;
	s5 =	sadd.s32 s21, s3  }
0x9d: {  	[timem:s7], [sflag:s22] =	dma.local [hbm:s5], s20  }
0x9e: {  	_ =	swait.ge [sflag:s22], s20  }
0x9f: {  	s4 =	ssub.s32 $0x0, s20;
	[sflag:s22] =	ssyncset.done $0x0  }
0xa0: {  	[sflag:s22] =	ssyncadd.s32 s4;
	_ =	sdelay $0x1  }
0xa1: {  	s23 =	simm.s32 $0x1B8B  }
0xa2: {  	_ =	swait.ge [sflag:s23], $0x1  }
0xa3: {  	[sflag:s23] =	ssyncset.done $0x0  }
0xa4: {  	s25 =	simm.s32 $0x1B8E;
	s24 =	sld [smem:$0x3FFE];
	[sflag:s23] =	ssyncadd.s32 $0xFFFFFFFF  }
0xa5: {  	s26 =	simm.s32 $execute0_lowered;
	[smem:$0x3FD2] =	sst s25  }
0xa6: {  	s5 =	sshll.u32 s26, $0x1;
	_ =	strace $0x80000046;
	[dreg:$0x1] =	wrdreg $0xFFFFFFFF  }
0xa7: {  	s28 =	simm.s32 $_size_execute0_lowered;
	s3 =	sadd.s32 s3, s5;
	[dreg:$0x0] =	wrdreg $0x0  }
0xa8: {  	s5 =	sshll.u32 s28, $0x1;
	[dreg:$0x2] =	wrdreg s3  }
0xa9: {  	[dreg:$0x3] =	wrdreg s5  }
0xaa: {  	[dreg:$0x4] =	wrdreg $0xC0  }
0xab: {  	_ =	task [dreg:s7], $0x5FFFF  }
0xac: {  	[dreg:$0x1] =	wrdreg $0xFFFFFFFF  }
0xad: {  	[dreg:$0x0] =	wrdreg $0x60  }
0xae: {  	[dreg:$0x2] =	wrdreg s2  }
0xaf: {  	[dreg:$0x3] =	wrdreg s24  }
0xb0: {  	[dreg:$0x4] =	wrdreg $0x0  }
0xb1: {  	[dreg:$0x5] =	wrdreg $0x9  }
0xb2: {  	_ =	task.clear_ibuf [dreg:s7], $0x6FFFF;
	_ =	strace $0x90000046  }
0xb3: {  	s29 =	simm.s32 $0x9;
	_ =	strace $0x80000048  }
0xb4: {  	_ =	swait.ge [sflag:s29], $0x1  }
0xb5: {  	[sflag:s29] =	ssyncadd.s32 $0xFFFFFFFF  }
0xb6: {  	_ =	strace $0x90000048  }
0xb7: {  	_ =	sfence  }
0xb8: {  	s30 =	sld [smem:$0x0];
	_ =	sdelay $0x2  }
0xb9: {  	s31 =	sshll.u32 s1, $0xD;
	s1 =	sshrl.u32 s1, $0x2  }
0xba: {  	s3 =	sand.u32 $0x4000, s31;
	s1 =	sadd.s32 s1, s30  }
0xbb: {  	s0 =	sor.u32 s3, s0;
	s1 =	sshll.u32 s1, $0x11  }
0xbc: {  	s0 =	sor.u32 s1, s0  }
0xbd: {  	s0 =	sadd.s32 $0x8F2B, s0  }
0xbe: {  	[sflag:s0] =	ssyncadd.remote.s32 $0x1  }
0xbf: {  	_ =	sfence.sel $0xFFFF  }
0xc0: {  	[dreg:$0x0] =	wrdreg $0xFFFFFFFF;
	(pc) =	sbr.abs _section_cstart, $3  }
0xc1: {  	[dreg:$0x1] =	wrdreg $0xFFFFFFFF  }
0xc2: {  	_ =	task.clear_ibuf [dreg:s7], $0x2FFFF;
	_ =	strace $0x9FFFFFFF  }
0xc3: {  	(tm) =	ssettm $0x7FFFFFFF  }
tec
execute0_lowered:
.L_overlay_start_1:
0x0: {  	(tag) =	ssettag $0x1  }
0x1: {  	s1 =	rddreg [dreg:$0x0]  }
0x2: {  	s0 =	rddreg [dreg:$0x1];
	s2 =	srdreg.scid  }
0x3: {  	s3 =	rddreg [dreg:$0x2];
	s10 =	stileid.u32;
	s6 =	simm.s32 $0x0  }
0x4: {  	s28 =	simm.s32 $0x100C0;
	s29 =	simm.s32 $0x124C0;
	s31 =	simm.s32 $0x148C0  }
0x5: {  	s30 =	simm.s32 $0x16CC0;
	s2 =	sand.u32 $0x1, s2;
	[smem:$0x7FF] =	sst s6  }
0x6: {  	s8 =	sadd.s32 $0x1600, s0;
	s13 =	sshll.u32 s10, $0x4;
	s9 =	smul.u32 $0xB1C0, s10  }
0x7: {  	s15 =	smul.u32 $0x2C700, s10;
	s4 =	sshll.u32 s2, $0x4;
	s5 =	ssub.s32 $0x2, s2  }
0x8: {  	_ =	strace $0x80000047;
	s14 =	sadd.s32 s13, s8;
	p0 =	seq.s32 s2, $0x1  }
0x9: {  	s2 =	simm.s32 $0x1B4C0;
	s13 =	simm.s32 $0xB;
	s4 =	sor.u32 s10, s4  }
0xa: {  	s11 =	sshrl.u32 s5, $0x1;
	s17 =	sadd.s32 $0x9C00, s14;
	s6 =	sadd.s32 $0x13840, s14  }
0xb: {  	s19 =	sshrl.u32 s15, $0x2;
	s5 =	ssub.s32 s5, s11;
	[dreg:$0x6] =	wrdreg s17  }
0xc: {  	[dreg:$0x7] =	wrdreg s6;
	s10 =	sadd.s32 s19, s3;
	s5 =	smax.u32 s5, $0x1  }
0xd: {  	s18 =	sshrl.u32 s9, $0x3;
	s21 =	sadd.s32 $0x1638, s10;
	[dreg:$0x8] =	wrdreg s5  }
0xe: {  	s20 =	sadd.s32 s9, s3;
	s22 =	sadd.s32 $0x2C70, s10;
	[dreg:$0x9] =	wrdreg s21  }
0xf: {  	s9 =	simm.s32 $0x7;
	s6 =	sadd.s32 $0x42A8, s10;
	[dreg:$0xa] =	wrdreg s22  }
0x10: {  	s14 =	simm.s32 $0xC;
	s23 =	sadd.s32 $0x58E0, s10;
	[dreg:$0xb] =	wrdreg s6  }
0x11: {  	s7 =	smul.u32 $0x2700, s4;
	s24 =	sadd.s32 $0x6F18, s10;
	[dreg:$0xc] =	wrdreg s23  }
0x12: {  	p1 =	sgt.u32 s4, $0x3;
	s25 =	sadd.s32 $0x8550, s10;
	[dreg:$0xd] =	wrdreg s24  }
0x13: {  	s19 =	simm.s32 $0x0;
	s26 =	sadd.s32 $0x9B88, s10;
	[dreg:$0xe] =	wrdreg s25  }
0x14: {  	s12 =	sshrl.u32 s7, $0x3;
	s5 =	simm.s32 $0x15000;
	[dreg:$0xf] =	wrdreg s26  }
0x15: {  	s21 =	simm.s32 $0x1D8C0;
	s22 =	simm.s32 $0xD;
	s23 =	simm.s32 $0x1  }
0x16: {  	s24 =	simm.s32 $0x2;
	s25 =	sshrl.u32 s20, $0x3;
	s26 =	simm.s32 $0x80  }
0x17: {  	s6 =	simm.s32 $0x4;
	s7 =	simm.s32 $0x5;
	s11 =	sadd.s32 s8, s12  }
0x18: {  	s5 =	simm.s32 @!p0 $0x2B400;
	p0 =	slt.u32 s4, $0x4;
	s4 =	simm.s32 $0x3  }
0x19: {  	s8 =	simm.s32 $0x6;
	s12 =	simm.s32 $0xA;
	[dreg:$0x4] =	wrdreg s11  }
0x1a: {  	s16 =	sadd.s32 $0x9C40, s11;
	s0 =	sadd.s32 s5, s0;
	s11 =	simm.s32 $0x8  }
0x1b: {  	s5 =	simm.s32 $0x9;
	[dreg:$0x5] =	wrdreg s16;
	s0 =	sadd.s32 s0, s18  }
0x1c: {  	v0 =	vimm.f32 $0.0e+00;
	s18 =	simm.s32 $0xB1C0;
	[dreg:$0x10] =	wrdreg s0;
	s0 =	simm.s32 $0x190C0  }
.LBB2_1:
0x1d: {  	s15 =	simm.s32 $0x0;
	s16 =	rddreg [dreg:$0x4]  }
0x1e: {  	[tilespmem:s18], [sflag:$0x1] =	stream.linear.gather [hbm4b:s16+s15], $0x2700, $0x38;
	[tilespmem:$0x1EEF8] =	vst v63  }
0x1f: {  	s20 =	rddreg [dreg:$0x5];
	s17 =	simm.s32 $0xD940  }
0x20: {  	[tilespmem:s17], [sflag:$0x2] =	stream.linear.gather [hbm4b:s20+s15], $0x2700, $0x38;
	[tilespmem:$0x1EEF8] =	vst v63  }
0x21: {  	s16 =	rddreg [dreg:$0x6];
	s15 =	simm.s32 @p0 $0x0;
	s20 =	simm.s32 @p0 $0xD8C0  }
0x22: {  	[tilespmem:s20], [sflag:$0xD] =	stream.linear.gather @p0 [hbm4b:s16+s15], $0x80, $0x38;
	[tilespmem:$0x1EEF8] =	vst v63  }
0x23: {  	s20 =	simm.s32 @p0 $0xD  }
0x24: {  	_ =	swait.ge @p0 [sflag:s20], $0x80  }
0x25: {  	[sflag:s20] =	ssyncset.done @p0 $0x0  }
0x26: {  	s16 =	simm.s32 @p0 $0x10040;
	s17 =	rddreg [dreg:$0x7];
	[sflag:s20] =	ssyncadd.s32 @p0 $0xFFFFFF80  }
0x27: {  	[tilespmem:s16], [sflag:$0xD] =	stream.linear.gather @p0 [hbm4b:s17+s15], $0x80, $0x38;
	[tilespmem:$0x1EEF8] =	vst v63  }
0x28: {  	_ =	swait.ge @p0 [sflag:s20], $0x80  }
0x29: {  	[sflag:s20] =	ssyncset.done @p0 $0x0  }
0x2a: {  	s15 =	simm.s32 $0x0;
	[sflag:s20] =	ssyncadd.s32 @p0 $0xFFFFFF80;
	s20 =	simm.s32 $0x120  }
.LBB2_2:
0x2b: {  	p2 =	seq.s32 s20, $0x57C0;
	[tilespmem:s15+$0x1D8F0] =	vst v0;
	s16 =	smov.u32 s20;
	s20 =	sadd.s32 $0x120, s20  }
.Ltmp0:
0x2c: {  	[tilespmem:s15+$0x1D8E0] =	vst v0;
	(pc) =	sbr.rel @!p2 .LBB2_2-.Ltmp0, $3  }
0x2d: {  	[tilespmem:s15+$0x1D8C0] =	vst v0  }
0x2e: {  	[tilespmem:s15+$0x1D8D0] =	vst v0;
	_ =	sdelay $0x1  }
0x2f: {  	s15 =	sshra.s32 s16, $0x2  }
0x30: {  	[tilespmem:s15+$0x1D8F0] =	vst v0  }
0x31: {  	[tilespmem:s15+$0x1D8E0] =	vst v0  }
0x32: {  	[tilespmem:s15+$0x1D8C0] =	vst v0  }
0x33: {  	[tilespmem:s15+$0x1D8D0] =	vst v0  }
0x34: {  	[spmem:s10] =	stream.linear.scatter [tilespmem:s21], [sflag:$0xD], $0x1638, $0x38;
	[tilespmem:$0x1EEF8] =	vst v63  }
0x35: {  	_ =	swait.ge [sflag:s22], $0x1638  }
0x36: {  	[sflag:s22] =	ssyncset.done $0x0  }
0x37: {  	s20 =	rddreg [dreg:$0x9];
	[sflag:s22] =	ssyncadd.s32 $0xFFFFE9C8  }
0x38: {  	[spmem:s20] =	stream.linear.scatter [tilespmem:s21], [sflag:$0xD], $0x1638, $0x38;
	[tilespmem:$0x1EEF8] =	vst v63  }
0x39: {  	_ =	swait.ge [sflag:s22], $0x1638  }
0x3a: {  	[sflag:s22] =	ssyncset.done $0x0  }
0x3b: {  	s16 =	rddreg [dreg:$0xa];
	[sflag:s22] =	ssyncadd.s32 $0xFFFFE9C8  }
0x3c: {  	[spmem:s16] =	stream.linear.scatter [tilespmem:s21], [sflag:$0xD], $0x1638, $0x38;
	[tilespmem:$0x1EEF8] =	vst v63  }
0x3d: {  	_ =	swait.ge [sflag:s22], $0x1638  }
0x3e: {  	[sflag:s22] =	ssyncset.done $0x0  }
0x3f: {  	s17 =	rddreg [dreg:$0xb];
	[sflag:s22] =	ssyncadd.s32 $0xFFFFE9C8  }
0x40: {  	[spmem:s17] =	stream.linear.scatter [tilespmem:s21], [sflag:$0xD], $0x1638, $0x38;
	[tilespmem:$0x1EEF8] =	vst v63  }
0x41: {  	_ =	swait.ge [sflag:s22], $0x1638  }
0x42: {  	[sflag:s22] =	ssyncset.done $0x0  }
0x43: {  	s20 =	rddreg [dreg:$0xc];
	[sflag:s22] =	ssyncadd.s32 $0xFFFFE9C8  }
0x44: {  	[spmem:s20] =	stream.linear.scatter [tilespmem:s21], [sflag:$0xD], $0x1638, $0x38;
	[tilespmem:$0x1EEF8] =	vst v63  }
0x45: {  	_ =	swait.ge [sflag:s22], $0x1638  }
0x46: {  	[sflag:s22] =	ssyncset.done $0x0  }
0x47: {  	s16 =	rddreg [dreg:$0xd];
	[sflag:s22] =	ssyncadd.s32 $0xFFFFE9C8  }
0x48: {  	[spmem:s16] =	stream.linear.scatter [tilespmem:s21], [sflag:$0xD], $0x1638, $0x38;
	[tilespmem:$0x1EEF8] =	vst v63  }
0x49: {  	_ =	swait.ge [sflag:s22], $0x1638  }
0x4a: {  	[sflag:s22] =	ssyncset.done $0x0  }
0x4b: {  	s17 =	rddreg [dreg:$0xe];
	[sflag:s22] =	ssyncadd.s32 $0xFFFFE9C8  }
0x4c: {  	[spmem:s17] =	stream.linear.scatter [tilespmem:s21], [sflag:$0xD], $0x1638, $0x38;
	[tilespmem:$0x1EEF8] =	vst v63  }
0x4d: {  	_ =	swait.ge [sflag:s22], $0x1638  }
0x4e: {  	[sflag:s22] =	ssyncset.done $0x0  }
0x4f: {  	s20 =	rddreg [dreg:$0xf];
	[sflag:s22] =	ssyncadd.s32 $0xFFFFE9C8  }
0x50: {  	[spmem:s20] =	stream.linear.scatter [tilespmem:s21], [sflag:$0xD], $0x1638, $0x38;
	[tilespmem:$0x1EEF8] =	vst v63  }
0x51: {  	_ =	swait.ge [sflag:s22], $0x1638  }
0x52: {  	[sflag:s22] =	ssyncset.done $0x0  }
0x53: {  	[sflag:s22] =	ssyncadd.s32 $0xFFFFE9C8  }
0x54: {  	_ =	swait.ge [sflag:s23], $0x2700  }
0x55: {  	[sflag:s23] =	ssyncset.done $0x0  }
0x56: {  	[sflag:s23] =	ssyncadd.s32 $0xFFFFD900  }
0x57: {  	_ =	swait.ge [sflag:s24], $0x2700  }
0x58: {  	[sflag:s24] =	ssyncset.done $0x0  }
0x59: {  	[sflag:s24] =	ssyncadd.s32 $0xFFFFD900  }
0x5a: {  	s16 =	simm.s32 $0xD940;
	[bflag:$0x0] =	sbarrier.arrive $0xFFFF  }
0x5b: {  	[tilespmem:s28], [sflag:$0x1] =	stream.indirect.gather [hbm4b:s1+s26], $0x48, s16, s26, $0xb8;
	[tilespmem:$0x1EEF8] =	vst v63  }
0x5c: {  	_ = 	snop  }
0x5d: {  	[tilespmem:s29], [sflag:$0x2] =	stream.indirect.gather [hbm4b:s1+s26], $0x48, s18, s26, $0xb8;
	[tilespmem:$0x1EEF8] =	vst v63  }
0x5e: {  	s17 =	simm.s32 $0xD9C0  }
0x5f: {  	[tilespmem:s31], [sflag:$0x3] =	stream.indirect.gather [hbm4b:s1+s26], $0x48, s17, s26, $0xb8;
	[tilespmem:$0x1EEF8] =	vst v63  }
0x60: {  	s18 =	simm.s32 $0xB240  }
0x61: {  	[tilespmem:s30], [sflag:$0x4] =	stream.indirect.gather [hbm4b:s1+s26], $0x48, s18, s26, $0xb8;
	[tilespmem:$0x1EEF8] =	vst v63  }
0x62: {  	s20 =	simm.s32 $0xDA40  }
0x63: {  	[tilespmem:s0], [sflag:$0x5] =	stream.indirect.gather [hbm4b:s1+s26], $0x48, s20, s26, $0xb8;
	[tilespmem:$0x1EEF8] =	vst v63  }
0x64: {  	s16 =	simm.s32 $0xB2C0  }
0x65: {  	[tilespmem:s2], [sflag:$0x6] =	stream.indirect.gather [hbm4b:s1+s26], $0x48, s16, s26, $0xb8;
	[tilespmem:$0x1EEF8] =	vst v63  }
0x66: {  	_ =	swait.ge [sflag:s23], $0x2400  }
0x67: {  	[sflag:s23] =	ssyncset.done $0x0  }
0x68: {  	s17 =	simm.s32 $0xB1C0;
	[sflag:s23] =	ssyncadd.s32 $0xFFFFDC00  }
0x69: {  	[spmem:s3] =	stream.indirect.scatter.add.f32 [tilespmem:s28], [sflag:$0x7], $0x48, s17, s26, $0xb8;
	[tilespmem:$0x1EEF8] =	vst v63  }
0x6a: {  	_ =	swait.ge [sflag:s24], $0x2400  }
0x6b: {  	[sflag:s24] =	ssyncset.done $0x0  }
0x6c: {  	s18 =	simm.s32 $0xD940;
	[sflag:s24] =	ssyncadd.s32 $0xFFFFDC00  }
0x6d: {  	[spmem:s3] =	stream.indirect.scatter.add.f32 [tilespmem:s29], [sflag:$0x8], $0x48, s18, s26, $0xb8;
	[tilespmem:$0x1EEF8] =	vst v63  }
0x6e: {  	_ =	swait.ge [sflag:s4], $0x2400  }
0x6f: {  	[sflag:s4] =	ssyncset.done $0x0  }
0x70: {  	s20 =	simm.s32 $0xB240;
	[sflag:s4] =	ssyncadd.s32 $0xFFFFDC00  }
0x71: {  	[spmem:s3] =	stream.indirect.scatter.add.f32 [tilespmem:s31], [sflag:$0x9], $0x48, s20, s26, $0xb8;
	[tilespmem:$0x1EEF8] =	vst v63  }
0x72: {  	_ =	swait.ge [sflag:s6], $0x2400  }
0x73: {  	[sflag:s6] =	ssyncset.done $0x0  }
0x74: {  	s16 =	simm.s32 $0xD9C0;
	[sflag:s6] =	ssyncadd.s32 $0xFFFFDC00  }
0x75: {  	[spmem:s3] =	stream.indirect.scatter.add.f32 [tilespmem:s30], [sflag:$0xA], $0x48, s16, s26, $0xb8;
	[tilespmem:$0x1EEF8] =	vst v63  }
0x76: {  	_ =	swait.ge [sflag:s7], $0x2400  }
0x77: {  	[sflag:s7] =	ssyncset.done $0x0  }
0x78: {  	s17 =	simm.s32 $0xB2C0;
	[sflag:s7] =	ssyncadd.s32 $0xFFFFDC00  }
0x79: {  	[spmem:s3] =	stream.indirect.scatter.add.f32 [tilespmem:s0], [sflag:$0xB], $0x48, s17, s26, $0xb8;
	[tilespmem:$0x1EEF8] =	vst v63  }
0x7a: {  	_ =	swait.ge [sflag:s8], $0x2400  }
0x7b: {  	[sflag:s8] =	ssyncset.done $0x0  }
0x7c: {  	s18 =	simm.s32 $0xDA40;
	[sflag:s8] =	ssyncadd.s32 $0xFFFFDC00  }
0x7d: {  	[spmem:s3] =	stream.indirect.scatter.add.f32 [tilespmem:s2], [sflag:$0xC], $0x48, s18, s26, $0xb8;
	[tilespmem:$0x1EEF8] =	vst v63  }
0x7e: {  	_ =	swait.ge [sflag:s9], $0x2400  }
0x7f: {  	[sflag:s9] =	ssyncset.done $0x0  }
0x80: {  	[sflag:s9] =	ssyncadd.s32 $0xFFFFDC00  }
0x81: {  	_ =	swait.ge [sflag:s11], $0x2400  }
0x82: {  	[sflag:s11] =	ssyncset.done $0x0  }
0x83: {  	[sflag:s11] =	ssyncadd.s32 $0xFFFFDC00  }
0x84: {  	_ =	swait.ge [sflag:s5], $0x2400  }
0x85: {  	[sflag:s5] =	ssyncset.done $0x0  }
0x86: {  	[sflag:s5] =	ssyncadd.s32 $0xFFFFDC00  }
0x87: {  	_ =	swait.ge [sflag:s12], $0x2400  }
0x88: {  	[sflag:s12] =	ssyncset.done $0x0  }
0x89: {  	[sflag:s12] =	ssyncadd.s32 $0xFFFFDC00  }
0x8a: {  	_ =	swait.ge [sflag:s13], $0x2400  }
0x8b: {  	[sflag:s13] =	ssyncset.done $0x0  }
0x8c: {  	[sflag:s13] =	ssyncadd.s32 $0xFFFFDC00  }
0x8d: {  	_ =	swait.ge [sflag:s14], $0x2400  }
0x8e: {  	[sflag:s14] =	ssyncset.done $0x0  }
0x8f: {  	s20 =	simm.s32 $0xDAC0;
	[sflag:s14] =	ssyncadd.s32 $0xFFFFDC00  }
0x90: {  	[tilespmem:s28], [sflag:$0x1] =	stream.indirect.gather [hbm4b:s1+s26], $0x48, s20, s26, $0xb8;
	[tilespmem:$0x1EEF8] =	vst v63  }
0x91: {  	s16 =	simm.s32 $0xB340  }
0x92: {  	[tilespmem:s29], [sflag:$0x2] =	stream.indirect.gather [hbm4b:s1+s26], $0x48, s16, s26, $0xb8;
	[tilespmem:$0x1EEF8] =	vst v63  }
0x93: {  	s17 =	simm.s32 $0xDB40  }
0x94: {  	[tilespmem:s31], [sflag:$0x3] =	stream.indirect.gather [hbm4b:s1+s26], $0x48, s17, s26, $0xb8;
	[tilespmem:$0x1EEF8] =	vst v63  }
0x95: {  	s18 =	simm.s32 $0xB3C0  }
0x96: {  	[tilespmem:s30], [sflag:$0x4] =	stream.indirect.gather [hbm4b:s1+s26], $0x48, s18, s26, $0xb8;
	[tilespmem:$0x1EEF8] =	vst v63  }
0x97: {  	s20 =	simm.s32 $0xDBC0  }
0x98: {  	[tilespmem:s0], [sflag:$0x5] =	stream.indirect.gather [hbm4b:s1+s26], $0x48, s20, s26, $0xb8;
	[tilespmem:$0x1EEF8] =	vst v63  }
0x99: {  	s15 =	simm.s32 $0x600;
	s20 =	simm.s32 $0xB440  }
.LBB2_4:
0x9a: {  	[tilespmem:s2], [sflag:$0x6] =	stream.indirect.gather [hbm4b:s1+s26], $0x48, s20, s26, $0xb8;
	[tilespmem:$0x1EEF8] =	vst v63  }
0x9b: {  	s16 =	smov.u32 s15  }
0x9c: {  	p2 =	sne.s32 s15, $0x9000;
	s15 =	sadd.s32 $0x600, s15;
	_ =	swait.ge [sflag:s23], $0x2400  }
0x9d: {  	s20 =	sshra.s32 s16, $0x2;
	[sflag:s23] =	ssyncset.done $0x0  }
0x9e: {  	s16 =	sadd.s32 $0xB1C0, s20;
	[sflag:s23] =	ssyncadd.s32 $0xFFFFDC00  }
0x9f: {  	[spmem:s3] =	stream.indirect.scatter.add.f32 [tilespmem:s28], [sflag:$0x7], $0x48, s16, s26, $0xb8;
	[tilespmem:$0x1EEF8] =	vst v63  }
0xa0: {  	_ =	swait.ge [sflag:s24], $0x2400  }
0xa1: {  	[sflag:s24] =	ssyncset.done $0x0  }
0xa2: {  	s16 =	sadd.s32 $0xD940, s20;
	[sflag:s24] =	ssyncadd.s32 $0xFFFFDC00  }
0xa3: {  	[spmem:s3] =	stream.indirect.scatter.add.f32 [tilespmem:s29], [sflag:$0x8], $0x48, s16, s26, $0xb8;
	[tilespmem:$0x1EEF8] =	vst v63  }
0xa4: {  	_ =	swait.ge [sflag:s4], $0x2400  }
0xa5: {  	[sflag:s4] =	ssyncset.done $0x0  }
0xa6: {  	s16 =	sadd.s32 $0xB240, s20;
	[sflag:s4] =	ssyncadd.s32 $0xFFFFDC00  }
0xa7: {  	[spmem:s3] =	stream.indirect.scatter.add.f32 [tilespmem:s31], [sflag:$0x9], $0x48, s16, s26, $0xb8;
	[tilespmem:$0x1EEF8] =	vst v63  }
0xa8: {  	_ =	swait.ge [sflag:s6], $0x2400  }
0xa9: {  	[sflag:s6] =	ssyncset.done $0x0  }
0xaa: {  	s16 =	sadd.s32 $0xD9C0, s20;
	[sflag:s6] =	ssyncadd.s32 $0xFFFFDC00  }
0xab: {  	[spmem:s3] =	stream.indirect.scatter.add.f32 [tilespmem:s30], [sflag:$0xA], $0x48, s16, s26, $0xb8;
	[tilespmem:$0x1EEF8] =	vst v63  }
0xac: {  	_ =	swait.ge [sflag:s7], $0x2400  }
0xad: {  	[sflag:s7] =	ssyncset.done $0x0  }
0xae: {  	s16 =	sadd.s32 $0xB2C0, s20;
	[sflag:s7] =	ssyncadd.s32 $0xFFFFDC00  }
0xaf: {  	[spmem:s3] =	stream.indirect.scatter.add.f32 [tilespmem:s0], [sflag:$0xB], $0x48, s16, s26, $0xb8;
	[tilespmem:$0x1EEF8] =	vst v63  }
0xb0: {  	_ =	swait.ge [sflag:s8], $0x2400  }
0xb1: {  	[sflag:s8] =	ssyncset.done $0x0  }
0xb2: {  	s16 =	sadd.s32 $0xDA40, s20;
	[sflag:s8] =	ssyncadd.s32 $0xFFFFDC00  }
0xb3: {  	[spmem:s3] =	stream.indirect.scatter.add.f32 [tilespmem:s2], [sflag:$0xC], $0x48, s16, s26, $0xb8;
	[tilespmem:$0x1EEF8] =	vst v63  }
0xb4: {  	_ =	swait.ge [sflag:s9], $0x2400  }
0xb5: {  	[sflag:s9] =	ssyncset.done $0x0  }
0xb6: {  	[sflag:s9] =	ssyncadd.s32 $0xFFFFDC00  }
0xb7: {  	_ =	swait.ge [sflag:s11], $0x2400  }
0xb8: {  	[sflag:s11] =	ssyncset.done $0x0  }
0xb9: {  	[sflag:s11] =	ssyncadd.s32 $0xFFFFDC00  }
0xba: {  	_ =	swait.ge [sflag:s5], $0x2400  }
0xbb: {  	[sflag:s5] =	ssyncset.done $0x0  }
0xbc: {  	[sflag:s5] =	ssyncadd.s32 $0xFFFFDC00  }
0xbd: {  	_ =	swait.ge [sflag:s12], $0x2400  }
0xbe: {  	[sflag:s12] =	ssyncset.done $0x0  }
0xbf: {  	[sflag:s12] =	ssyncadd.s32 $0xFFFFDC00  }
0xc0: {  	_ =	swait.ge [sflag:s13], $0x2400  }
0xc1: {  	[sflag:s13] =	ssyncset.done $0x0  }
0xc2: {  	[sflag:s13] =	ssyncadd.s32 $0xFFFFDC00  }
0xc3: {  	_ =	swait.ge [sflag:s14], $0x2400  }
0xc4: {  	[sflag:s14] =	ssyncset.done $0x0  }
0xc5: {  	s16 =	sadd.s32 $0xDAC0, s20;
	[sflag:s14] =	ssyncadd.s32 $0xFFFFDC00  }
0xc6: {  	[tilespmem:s28], [sflag:$0x1] =	stream.indirect.gather [hbm4b:s1+s26], $0x48, s16, s26, $0xb8;
	[tilespmem:$0x1EEF8] =	vst v63  }
0xc7: {  	s16 =	sadd.s32 $0xB340, s20  }
0xc8: {  	[tilespmem:s29], [sflag:$0x2] =	stream.indirect.gather [hbm4b:s1+s26], $0x48, s16, s26, $0xb8;
	[tilespmem:$0x1EEF8] =	vst v63  }
0xc9: {  	s16 =	sadd.s32 $0xDB40, s20  }
0xca: {  	[tilespmem:s31], [sflag:$0x3] =	stream.indirect.gather [hbm4b:s1+s26], $0x48, s16, s26, $0xb8;
	[tilespmem:$0x1EEF8] =	vst v63  }
.Ltmp1:
0xcb: {  	s16 =	sadd.s32 $0xB3C0, s20;
	(pc) =	sbr.rel @p2 .LBB2_4-.Ltmp1, $4  }
0xcc: {  	[tilespmem:s30], [sflag:$0x4] =	stream.indirect.gather [hbm4b:s1+s26], $0x48, s16, s26, $0xb8;
	[tilespmem:$0x1EEF8] =	vst v63  }
0xcd: {  	s16 =	sadd.s32 $0xDBC0, s20  }
0xce: {  	[tilespmem:s0], [sflag:$0x5] =	stream.indirect.gather [hbm4b:s1+s26], $0x48, s16, s26, $0xb8;
	[tilespmem:$0x1EEF8] =	vst v63  }
0xcf: {  	s20 =	sadd.s32 $0xB440, s20  }
0xd0: {  	[tilespmem:s2], [sflag:$0x6] =	stream.indirect.gather [hbm4b:s1+s26], $0x48, s20, s26, $0xb8;
	[tilespmem:$0x1EEF8] =	vst v63  }
0xd1: {  	_ =	swait.ge [sflag:s23], $0x2400  }
0xd2: {  	[sflag:s23] =	ssyncset.done $0x0  }
0xd3: {  	s15 =	simm.s32 $0xD740;
	[sflag:s23] =	ssyncadd.s32 $0xFFFFDC00  }
0xd4: {  	[spmem:s3] =	stream.indirect.scatter.add.f32 [tilespmem:s28], [sflag:$0x7], $0x48, s15, s26, $0xb8;
	[tilespmem:$0x1EEF8] =	vst v63  }
0xd5: {  	_ =	swait.ge [sflag:s24], $0x2400  }
0xd6: {  	[sflag:s24] =	ssyncset.done $0x0  }
0xd7: {  	s16 =	simm.s32 $0xFEC0;
	[sflag:s24] =	ssyncadd.s32 $0xFFFFDC00  }
0xd8: {  	[spmem:s3] =	stream.indirect.scatter.add.f32 [tilespmem:s29], [sflag:$0x8], $0x48, s16, s26, $0xb8;
	[tilespmem:$0x1EEF8] =	vst v63  }
0xd9: {  	_ =	swait.ge [sflag:s4], $0x2400  }
0xda: {  	[sflag:s4] =	ssyncset.done $0x0  }
0xdb: {  	s17 =	simm.s32 $0xD7C0;
	[sflag:s4] =	ssyncadd.s32 $0xFFFFDC00  }
0xdc: {  	[spmem:s3] =	stream.indirect.scatter.add.f32 [tilespmem:s31], [sflag:$0x9], $0x48, s17, s26, $0xb8;
	[tilespmem:$0x1EEF8] =	vst v63  }
0xdd: {  	_ =	swait.ge [sflag:s6], $0x2400  }
0xde: {  	[sflag:s6] =	ssyncset.done $0x0  }
0xdf: {  	s18 =	simm.s32 $0xFF40;
	[sflag:s6] =	ssyncadd.s32 $0xFFFFDC00  }
0xe0: {  	[spmem:s3] =	stream.indirect.scatter.add.f32 [tilespmem:s30], [sflag:$0xA], $0x48, s18, s26, $0xb8;
	[tilespmem:$0x1EEF8] =	vst v63  }
0xe1: {  	_ =	swait.ge [sflag:s7], $0x2400  }
0xe2: {  	[sflag:s7] =	ssyncset.done $0x0  }
0xe3: {  	s20 =	simm.s32 $0xD840;
	[sflag:s7] =	ssyncadd.s32 $0xFFFFDC00  }
0xe4: {  	[spmem:s3] =	stream.indirect.scatter.add.f32 [tilespmem:s0], [sflag:$0xB], $0x48, s20, s26, $0xb8;
	[tilespmem:$0x1EEF8] =	vst v63  }
0xe5: {  	_ =	swait.ge [sflag:s8], $0x2400  }
0xe6: {  	[sflag:s8] =	ssyncset.done $0x0  }
0xe7: {  	s16 =	simm.s32 $0xFFC0;
	[sflag:s8] =	ssyncadd.s32 $0xFFFFDC00  }
0xe8: {  	[spmem:s3] =	stream.indirect.scatter.add.f32 [tilespmem:s2], [sflag:$0xC], $0x48, s16, s26, $0xb8;
	[tilespmem:$0x1EEF8] =	vst v63  }
0xe9: {  	_ =	swait.ge [sflag:s9], $0x2400  }
0xea: {  	[sflag:s9] =	ssyncset.done $0x0  }
0xeb: {  	[sflag:s9] =	ssyncadd.s32 $0xFFFFDC00  }
0xec: {  	_ =	swait.ge [sflag:s11], $0x2400  }
0xed: {  	[sflag:s11] =	ssyncset.done $0x0  }
0xee: {  	[sflag:s11] =	ssyncadd.s32 $0xFFFFDC00  }
0xef: {  	_ =	swait.ge [sflag:s5], $0x2400  }
0xf0: {  	[sflag:s5] =	ssyncset.done $0x0  }
0xf1: {  	[sflag:s5] =	ssyncadd.s32 $0xFFFFDC00  }
0xf2: {  	_ =	swait.ge [sflag:s12], $0x2400  }
0xf3: {  	[sflag:s12] =	ssyncset.done $0x0  }
0xf4: {  	[sflag:s12] =	ssyncadd.s32 $0xFFFFDC00  }
0xf5: {  	_ =	swait.ge [sflag:s13], $0x2400  }
0xf6: {  	[sflag:s13] =	ssyncset.done $0x0  }
0xf7: {  	[sflag:s13] =	ssyncadd.s32 $0xFFFFDC00  }
0xf8: {  	_ =	swait.ge [sflag:s14], $0x2400  }
0xf9: {  	s15 =	simm.s32 @!p1 $0x80;
	s17 =	simm.s32 @!p1 $0xD;
	[sflag:s14] =	ssyncset.done $0x0  }
0xfa: {  	s20 =	simm.s32 @!p1 $0x100C0;
	s16 =	simm.s32 @!p1 $0x10040;
	[sflag:s14] =	ssyncadd.s32 $0xFFFFDC00  }
0xfb: {  	[tilespmem:s20], [sflag:$0xD] =	stream.indirect.gather @!p1 [hbm4b:s1+s15], $0x48, s16, s15, $0xb8;
	[tilespmem:$0x1EEF8] =	vst v63  }
0xfc: {  	_ =	swait.ge @!p1 [sflag:s17], $0x2400  }
0xfd: {  	[sflag:s17] =	ssyncset.done @!p1 $0x0  }
0xfe: {  	s18 =	simm.s32 @!p1 $0xD8C0;
	[sflag:s17] =	ssyncadd.s32 @!p1 $0xFFFFDC00  }
0xff: {  	[spmem:s3] =	stream.indirect.scatter.add.f32 @!p1 [tilespmem:s20], [sflag:$0xD], $0x48, s18, s15, $0xb8;
	[tilespmem:$0x1EEF8] =	vst v63  }
0x100: {  	_ =	swait.ge @!p1 [sflag:s17], $0x2400  }
0x101: {  	[sflag:s17] =	ssyncset.done @!p1 $0x0  }
0x102: {  	s20 =	simm.s32 @!p1 $0x124C0;
	[sflag:s17] =	ssyncadd.s32 @!p1 $0xFFFFDC00  }
0x103: {  	[tilespmem:s20], [sflag:$0xD] =	stream.indirect.gather @!p1 [hbm4b:s1+s15], $0x48, s18, s15, $0xb8;
	[tilespmem:$0x1EEF8] =	vst v63  }
0x104: {  	_ =	swait.ge @!p1 [sflag:s17], $0x2400  }
0x105: {  	[sflag:s17] =	ssyncset.done @!p1 $0x0  }
0x106: {  	[sflag:s17] =	ssyncadd.s32 @!p1 $0xFFFFDC00  }
0x107: {  	[spmem:s3] =	stream.indirect.scatter.add.f32 @!p1 [tilespmem:s20], [sflag:$0xD], $0x48, s16, s15, $0xb8;
	[tilespmem:$0x1EEF8] =	vst v63  }
0x108: {  	_ =	swait.ge @!p1 [sflag:s17], $0x2400  }
0x109: {  	[sflag:s17] =	ssyncset.done @!p1 $0x0  }
0x10a: {  	[sflag:s17] =	ssyncadd.s32 @!p1 $0xFFFFDC00;
	s17 =	stileid.u32  }
0x10b: {  	s15 =	sshll.u32 s17, $0x6;
	[bflag:$0x0] =	sbarrier.arrive $0xFFFF  }
0x10c: {  	s15 =	sor.u32 $0x1C0D, s15;
	s18 =	rddreg [dreg:$0x10]  }
0x10d: {  	[hbm:s18], [sflag:s15] =	dma.local [spmem:s25], $0x1638  }
0x10e: {  	_ =	swait.ge [sflag:s22], $0x1638  }
0x10f: {  	s19 =	sadd.s32 $0x1, s19;
	s20 =	rddreg [dreg:$0x8]  }
0x110: {  	p2 =	sne.s32 s19, s20  }
.Ltmp2:
0x111: {  	_ = 	snop;
	(pc) =	sbr.rel @p2 .LBB2_1-.Ltmp2, $3  }
0x112: {  	_ =	sdelay $0x1  }
0x113: {  	[sflag:s22] =	ssyncset.done $0x0  }
0x114: {  	s18 =	simm.s32 $0xB1C0;
	[sflag:s22] =	ssyncadd.s32 $0xFFFFE9C8  }
0x115: {  	_ =	sfence.sel $0x180000  }
0x116: {  	[bflag:$0x0] =	sbarrier.arrive $0xFFFF  }
0x117: {  	_ =	strace $0x90000047  }
0x118: {  	s0 =	stileid.u32;
	[bflag:$0x2] =	sbarrier.arrive $0xFFFF  }
0x119: {  	p0 =	sne.s32 s0, $0x0;
	s0 =	rddreg [dreg:$0x3]  }
0x11a: {  	s0 =	sadd.s32 @!p0 $0x100000, s0  }
0x11b: {  	[sflag:s0] =	ssyncadd.tile.s32 @!p0 $0x1;
	_ =	shalt  }
.Lfunc_end2:
_tile_overlayer_lowered:
.L_overlay_start_2:
0x11c: {  	(tag) =	ssettag $0x2  }
0x11d: {  	s0 =	rddreg [dreg:$0x0];
	s2 =	stileid.u32  }
0x11e: {  	s1 =	rddreg [dreg:$0x1];
	p0 =	sne.s32 s2, $0x0  }
0x11f: {  	s3 =	rddreg [dreg:$0x2];
	[bflag:$0x3] =	sbarrier.arrive $0xFFFF;
	s2 =	simm.s32 @!p0 $0x1C0D  }
0x120: {  	[timem:s3], [sflag:s2] =	dma.local @!p0 [hbm:s0], s1  }
0x121: {  	s0 =	simm.s32 @!p0 $0xD  }
0x122: {  	_ =	swait.ge @!p0 [sflag:s0], s1  }
0x123: {  	s1 =	ssub.s32 @!p0 $0x0, s1;
	[sflag:s0] =	ssyncset.done @!p0 $0x0  }
0x124: {  	[sflag:s0] =	ssyncadd.s32 @!p0 s1  }
0x125: {  	[bflag:$0x3] =	sbarrier.arrive $0xFFFF  }
0x126: {  	_ =	shalt  }

</sc_bundles>
